<compile_context>
chip_gen: v7x
topology: tpu7x:2x2x1
jax: 0.10.2.dev20260603
libtpu: 0.0.44.dev20260713+nightly
codegen_flags: <defaults>
</compile_context>

<pallas_src>
import functools

import jax
import jax.numpy as jnp
from jax import lax
from jax.experimental import pallas as pl
from jax.experimental.pallas import tpu as pltpu
from jax.experimental.pallas import tpu_sc as plsc

_D = 64
_SCALE = 8.0
_NW = 32
_C0 = 128
_NR = 4


def _emb_lookup(tok, table):
    bsz, seq = tok.shape
    rows_per_w = bsz // _NW
    c1 = seq - _C0
    mesh = plsc.VectorSubcoreMesh(core_axis_name="c", subcore_axis_name="s")

    @functools.partial(
        pl.kernel,
        mesh=mesh,
        out_type=jax.ShapeDtypeStruct((bsz, seq, _D), jnp.float32),
        compiler_params=pltpu.CompilerParams(use_tc_tiling_on_sc=False),
        scratch_types=(
            [pltpu.VMEM((_C0,), jnp.int32) for _ in range(_NR)]
            + [pltpu.VMEM((c1,), jnp.int32) for _ in range(_NR)]
            + [pltpu.VMEM((seq, _D), jnp.float32) for _ in range(_NR)]
            + [pltpu.SemaphoreType.DMA for _ in range(3 * _NR)]
        ),
    )
    def body(tok_hbm, table_hbm, out_hbm, *refs):
        idxas = refs[:_NR]
        idxbs = refs[_NR:2 * _NR]
        bufs = refs[2 * _NR:3 * _NR]
        isems = refs[3 * _NR:4 * _NR]
        gsems = refs[4 * _NR:5 * _NR]
        ssems = refs[5 * _NR:]

        cid = lax.axis_index("c")
        sid = lax.axis_index("s")
        wid = sid * 2 + cid
        row0 = wid * rows_per_w

        def idx_copies(j, i):
            row = row0 + j
            return (
                pltpu.make_async_copy(
                    tok_hbm.at[row, pl.ds(0, _C0)], idxas[i], isems[i]
                ),
                pltpu.make_async_copy(
                    tok_hbm.at[row, pl.ds(_C0, c1)], idxbs[i], isems[i]
                ),
            )

        def stage_idx(j, i):
            for cp in idx_copies(j, i):
                cp.start()

        def gather_copies(g):
            return (
                pltpu.make_async_copy(
                    table_hbm.at[idxas[g]],
                    bufs[g].at[pl.ds(0, _C0)],
                    gsems[g],
                ),
                pltpu.make_async_copy(
                    table_hbm.at[idxbs[g]],
                    bufs[g].at[pl.ds(_C0, c1)],
                    gsems[g],
                ),
            )

        def start_gathers(j, g):
            for cp in idx_copies(j, g):
                cp.wait()
            for cp in gather_copies(g):
                cp.start()

        def wait_gathers(g):
            for cp in gather_copies(g):
                cp.wait()

        def start_store(j, s):
            pltpu.make_async_copy(
                bufs[s], out_hbm.at[row0 + j], ssems[s]
            ).start()

        def wait_store(j, s):
            pltpu.make_async_copy(
                bufs[s], out_hbm.at[row0 + j], ssems[s]
            ).wait()

        for j in range(_NR):
            stage_idx(j, j)
        start_gathers(0, 0)
        start_gathers(1, 1)

        for j in range(_NR):
            wait_gathers(j)
            stage_idx(j + _NR, j)
            start_store(j, j)
            nxt = j + 2
            if nxt < _NR:
                start_gathers(nxt, nxt)
            else:
                wait_store(nxt - _NR, nxt % _NR)
                start_gathers(nxt, nxt % _NR)

        def loop_body(ii, carry):
            for b in range(_NR):
                j = ii * _NR + b
                wait_gathers(b)

                @pl.when(j + _NR < rows_per_w)
                def _():
                    stage_idx(j + _NR, b)

                start_store(j, b)

                @pl.when(j + 2 < rows_per_w)
                def _():
                    g = (b + 2) % _NR
                    wait_store(j - 2, g)
                    start_gathers(j + 2, g)
            return carry

        lax.fori_loop(1, rows_per_w // _NR, loop_body, 0)

        for k in range(_NR):
            j = rows_per_w - _NR + k
            wait_store(j, j % _NR)

    return body(tok, table)


def kernel(tokens, embedding):
    tok = tokens if tokens.dtype == jnp.int32 else tokens.astype(jnp.int32)
    return _emb_lookup(tok, embedding) * _SCALE

# --- scband reference (transcript-rebuilt; emitter-appended) ---
"""Pipeline reference for scband-token-embedding-16269336117876 (READ-ONLY COPY).

The authoritative reference and input builder live on the scoring server;
editing this copy changes nothing except your own understanding.
"""

import math
import jax, jax.numpy as jnp
import numpy as np

NUM_TOKENS = 1000000
D_MODEL = 64
BATCH = 4096
SEQ_LEN = 200


def setup_inputs(seed: int = 0) -> dict:
    key = jax.random.key(seed)
    k_tok, k_emb = jax.random.split(key)
    tokens = jax.random.randint(k_tok, (BATCH, SEQ_LEN), 0, NUM_TOKENS, dtype=jnp.int64 if jax.config.read('jax_enable_x64') else jnp.int32)
    # embedding table, init like nn.Embedding default N(0, 1)
    embedding = jax.random.normal(k_emb, (NUM_TOKENS, D_MODEL), dtype=jnp.float32)
    return {"tokens": tokens, "embedding": embedding}


def reference(tokens, embedding):
    # gather rows of the embedding table and scale by sqrt(d_model)
    emb = jnp.take(embedding, tokens, axis=0)
    return emb * math.sqrt(D_MODEL)

if __name__ == "__main__":
    import jax
    _d = setup_inputs()
    print(jax.jit(kernel)(*tuple(_d.values())))

</pallas_src>

<mosaic_0001>
#map = affine_map<(d0, d1) -> (0, 0)>
#map1 = affine_map<(d0, d1) -> (0, 0, 0)>
module attributes {stable_mosaic.version = 14 : i64} {
  func.func @body(%arg0: i32, %arg1: i32, %arg2: memref<4096x200xi32, #tpu.memory_space<hbm>>, %arg3: memref<1000000x64xf32, #tpu.memory_space<hbm>>, %arg4: memref<4096x200x64xf32, #tpu.memory_space<hbm>>, %arg5: memref<128xi32, #tpu.memory_space<vmem>>, %arg6: memref<128xi32, #tpu.memory_space<vmem>>, %arg7: memref<128xi32, #tpu.memory_space<vmem>>, %arg8: memref<128xi32, #tpu.memory_space<vmem>>, %arg9: memref<72xi32, #tpu.memory_space<vmem>>, %arg10: memref<72xi32, #tpu.memory_space<vmem>>, %arg11: memref<72xi32, #tpu.memory_space<vmem>>, %arg12: memref<72xi32, #tpu.memory_space<vmem>>, %arg13: memref<200x64xf32, #tpu.memory_space<vmem>>, %arg14: memref<200x64xf32, #tpu.memory_space<vmem>>, %arg15: memref<200x64xf32, #tpu.memory_space<vmem>>, %arg16: memref<200x64xf32, #tpu.memory_space<vmem>>, %arg17: memref<!tpu.dma_semaphore, #tpu.memory_space<semaphore_mem>>, %arg18: memref<!tpu.dma_semaphore, #tpu.memory_space<semaphore_mem>>, %arg19: memref<!tpu.dma_semaphore, #tpu.memory_space<semaphore_mem>>, %arg20: memref<!tpu.dma_semaphore, #tpu.memory_space<semaphore_mem>>, %arg21: memref<!tpu.dma_semaphore, #tpu.memory_space<semaphore_mem>>, %arg22: memref<!tpu.dma_semaphore, #tpu.memory_space<semaphore_mem>>, %arg23: memref<!tpu.dma_semaphore, #tpu.memory_space<semaphore_mem>>, %arg24: memref<!tpu.dma_semaphore, #tpu.memory_space<semaphore_mem>>, %arg25: memref<!tpu.dma_semaphore, #tpu.memory_space<semaphore_mem>>, %arg26: memref<!tpu.dma_semaphore, #tpu.memory_space<semaphore_mem>>, %arg27: memref<!tpu.dma_semaphore, #tpu.memory_space<semaphore_mem>>, %arg28: memref<!tpu.dma_semaphore, #tpu.memory_space<semaphore_mem>>) attributes {dimension_semantics = [#tpu.dimension_semantics<core_parallel>, #tpu.dimension_semantics<subcore_parallel>], iteration_bounds = array<i64: 2, 16>, scalar_prefetch = 0 : i64, scratch_operands = 24 : i64, tpu.core_type = #tpu.core_type<sc_vector_subcore>, window_params = [{transform_indices = #map}, {transform_indices = #map}, {transform_indices = #map1}]} {
    %mul3A = arith.constant 2 : i32
    %mul3A_0 = arith.muli %arg1, %mul3A : i32
    %add3A = arith.addi %mul3A_0, %arg0 : i32
    %mul3A_1 = arith.constant 128 : i32
    %mul3A_2 = arith.muli %add3A, %mul3A_1 : i32
    %add3A_3 = arith.constant 0 : i32
    %add3A_4 = arith.addi %mul3A_2, %add3A_3 : i32
    %dma_start3A = arith.constant 0 : i32
    %dma_start3A_5 = tpu.memref_slice %arg2[%add3A_4, %dma_start3A] : memref<4096x200xi32, #tpu.memory_space<hbm>> -> memref<1x128xi32, #tpu.memory_space<hbm>>
    %dma_start3A_6 = tpu.memref_squeeze %dma_start3A_5 : memref<1x128xi32, #tpu.memory_space<hbm>> -> memref<128xi32, #tpu.memory_space<hbm>>
    %dma_start3A_7 = arith.constant 0 : i32
    %dma_start3A_8 = tpu.memref_slice %arg2[%add3A_4, %dma_start3A_7] : memref<4096x200xi32, #tpu.memory_space<hbm>> -> memref<1x128xi32, #tpu.memory_space<hbm>>
    %dma_start3A_9 = tpu.memref_squeeze %dma_start3A_8 : memref<1x128xi32, #tpu.memory_space<hbm>> -> memref<128xi32, #tpu.memory_space<hbm>>
    tpu.enqueue_dma source(%dma_start3A_9 : memref<128xi32, #tpu.memory_space<hbm>>) target(%arg5 : memref<128xi32, #tpu.memory_space<vmem>>) target_semaphore(%arg17 : memref<!tpu.dma_semaphore, #tpu.memory_space<semaphore_mem>>)
    %dma_start3A_10 = arith.constant 128 : i32
    %dma_start3A_11 = tpu.memref_slice %arg2[%add3A_4, %dma_start3A_10] : memref<4096x200xi32, #tpu.memory_space<hbm>> -> memref<1x72xi32, #tpu.memory_space<hbm>>
    %dma_start3A_12 = tpu.memref_squeeze %dma_start3A_11 : memref<1x72xi32, #tpu.memory_space<hbm>> -> memref<72xi32, #tpu.memory_space<hbm>>
    %dma_start3A_13 = arith.constant 128 : i32
    %dma_start3A_14 = tpu.memref_slice %arg2[%add3A_4, %dma_start3A_13] : memref<4096x200xi32, #tpu.memory_space<hbm>> -> memref<1x72xi32, #tpu.memory_space<hbm>>
    %dma_start3A_15 = tpu.memref_squeeze %dma_start3A_14 : memref<1x72xi32, #tpu.memory_space<hbm>> -> memref<72xi32, #tpu.memory_space<hbm>>
    tpu.enqueue_dma source(%dma_start3A_15 : memref<72xi32, #tpu.memory_space<hbm>>) target(%arg9 : memref<72xi32, #tpu.memory_space<vmem>>) target_semaphore(%arg17 : memref<!tpu.dma_semaphore, #tpu.memory_space<semaphore_mem>>)
    %add3A_16 = arith.constant 1 : i32
    %add3A_17 = arith.addi %mul3A_2, %add3A_16 : i32
    %dma_start3A_18 = arith.constant 0 : i32
    %dma_start3A_19 = tpu.memref_slice %arg2[%add3A_17, %dma_start3A_18] : memref<4096x200xi32, #tpu.memory_space<hbm>> -> memref<1x128xi32, #tpu.memory_space<hbm>>
    %dma_start3A_20 = tpu.memref_squeeze %dma_start3A_19 : memref<1x128xi32, #tpu.memory_space<hbm>> -> memref<128xi32, #tpu.memory_space<hbm>>
    %dma_start3A_21 = arith.constant 0 : i32
    %dma_start3A_22 = tpu.memref_slice %arg2[%add3A_17, %dma_start3A_21] : memref<4096x200xi32, #tpu.memory_space<hbm>> -> memref<1x128xi32, #tpu.memory_space<hbm>>
    %dma_start3A_23 = tpu.memref_squeeze %dma_start3A_22 : memref<1x128xi32, #tpu.memory_space<hbm>> -> memref<128xi32, #tpu.memory_space<hbm>>
    tpu.enqueue_dma source(%dma_start3A_23 : memref<128xi32, #tpu.memory_space<hbm>>) target(%arg6 : memref<128xi32, #tpu.memory_space<vmem>>) target_semaphore(%arg18 : memref<!tpu.dma_semaphore, #tpu.memory_space<semaphore_mem>>)
    %dma_start3A_24 = arith.constant 128 : i32
    %dma_start3A_25 = tpu.memref_slice %arg2[%add3A_17, %dma_start3A_24] : memref<4096x200xi32, #tpu.memory_space<hbm>> -> memref<1x72xi32, #tpu.memory_space<hbm>>
    %dma_start3A_26 = tpu.memref_squeeze %dma_start3A_25 : memref<1x72xi32, #tpu.memory_space<hbm>> -> memref<72xi32, #tpu.memory_space<hbm>>
    %dma_start3A_27 = arith.constant 128 : i32
    %dma_start3A_28 = tpu.memref_slice %arg2[%add3A_17, %dma_start3A_27] : memref<4096x200xi32, #tpu.memory_space<hbm>> -> memref<1x72xi32, #tpu.memory_space<hbm>>
    %dma_start3A_29 = tpu.memref_squeeze %dma_start3A_28 : memref<1x72xi32, #tpu.memory_space<hbm>> -> memref<72xi32, #tpu.memory_space<hbm>>
    tpu.enqueue_dma source(%dma_start3A_29 : memref<72xi32, #tpu.memory_space<hbm>>) target(%arg10 : memref<72xi32, #tpu.memory_space<vmem>>) target_semaphore(%arg18 : memref<!tpu.dma_semaphore, #tpu.memory_space<semaphore_mem>>)
    %add3A_30 = arith.constant 2 : i32
    %add3A_31 = arith.addi %mul3A_2, %add3A_30 : i32
    %dma_start3A_32 = arith.constant 0 : i32
    %dma_start3A_33 = tpu.memref_slice %arg2[%add3A_31, %dma_start3A_32] : memref<4096x200xi32, #tpu.memory_space<hbm>> -> memref<1x128xi32, #tpu.memory_space<hbm>>
    %dma_start3A_34 = tpu.memref_squeeze %dma_start3A_33 : memref<1x128xi32, #tpu.memory_space<hbm>> -> memref<128xi32, #tpu.memory_space<hbm>>
    %dma_start3A_35 = arith.constant 0 : i32
    %dma_start3A_36 = tpu.memref_slice %arg2[%add3A_31, %dma_start3A_35] : memref<4096x200xi32, #tpu.memory_space<hbm>> -> memref<1x128xi32, #tpu.memory_space<hbm>>
    %dma_start3A_37 = tpu.memref_squeeze %dma_start3A_36 : memref<1x128xi32, #tpu.memory_space<hbm>> -> memref<128xi32, #tpu.memory_space<hbm>>
    tpu.enqueue_dma source(%dma_start3A_37 : memref<128xi32, #tpu.memory_space<hbm>>) target(%arg7 : memref<128xi32, #tpu.memory_space<vmem>>) target_semaphore(%arg19 : memref<!tpu.dma_semaphore, #tpu.memory_space<semaphore_mem>>)
    %dma_start3A_38 = arith.constant 128 : i32
    %dma_start3A_39 = tpu.memref_slice %arg2[%add3A_31, %dma_start3A_38] : memref<4096x200xi32, #tpu.memory_space<hbm>> -> memref<1x72xi32, #tpu.memory_space<hbm>>
    %dma_start3A_40 = tpu.memref_squeeze %dma_start3A_39 : memref<1x72xi32, #tpu.memory_space<hbm>> -> memref<72xi32, #tpu.memory_space<hbm>>
    %dma_start3A_41 = arith.constant 128 : i32
    %dma_start3A_42 = tpu.memref_slice %arg2[%add3A_31, %dma_start3A_41] : memref<4096x200xi32, #tpu.memory_space<hbm>> -> memref<1x72xi32, #tpu.memory_space<hbm>>
    %dma_start3A_43 = tpu.memref_squeeze %dma_start3A_42 : memref<1x72xi32, #tpu.memory_space<hbm>> -> memref<72xi32, #tpu.memory_space<hbm>>
    tpu.enqueue_dma source(%dma_start3A_43 : memref<72xi32, #tpu.memory_space<hbm>>) target(%arg11 : memref<72xi32, #tpu.memory_space<vmem>>) target_semaphore(%arg19 : memref<!tpu.dma_semaphore, #tpu.memory_space<semaphore_mem>>)
    %add3A_44 = arith.constant 3 : i32
    %add3A_45 = arith.addi %mul3A_2, %add3A_44 : i32
    %dma_start3A_46 = arith.constant 0 : i32
    %dma_start3A_47 = tpu.memref_slice %arg2[%add3A_45, %dma_start3A_46] : memref<4096x200xi32, #tpu.memory_space<hbm>> -> memref<1x128xi32, #tpu.memory_space<hbm>>
    %dma_start3A_48 = tpu.memref_squeeze %dma_start3A_47 : memref<1x128xi32, #tpu.memory_space<hbm>> -> memref<128xi32, #tpu.memory_space<hbm>>
    %dma_start3A_49 = arith.constant 0 : i32
    %dma_start3A_50 = tpu.memref_slice %arg2[%add3A_45, %dma_start3A_49] : memref<4096x200xi32, #tpu.memory_space<hbm>> -> memref<1x128xi32, #tpu.memory_space<hbm>>
    %dma_start3A_51 = tpu.memref_squeeze %dma_start3A_50 : memref<1x128xi32, #tpu.memory_space<hbm>> -> memref<128xi32, #tpu.memory_space<hbm>>
    tpu.enqueue_dma source(%dma_start3A_51 : memref<128xi32, #tpu.memory_space<hbm>>) target(%arg8 : memref<128xi32, #tpu.memory_space<vmem>>) target_semaphore(%arg20 : memref<!tpu.dma_semaphore, #tpu.memory_space<semaphore_mem>>)
    %dma_start3A_52 = arith.constant 128 : i32
    %dma_start3A_53 = tpu.memref_slice %arg2[%add3A_45, %dma_start3A_52] : memref<4096x200xi32, #tpu.memory_space<hbm>> -> memref<1x72xi32, #tpu.memory_space<hbm>>
    %dma_start3A_54 = tpu.memref_squeeze %dma_start3A_53 : memref<1x72xi32, #tpu.memory_space<hbm>> -> memref<72xi32, #tpu.memory_space<hbm>>
    %dma_start3A_55 = arith.constant 128 : i32
    %dma_start3A_56 = tpu.memref_slice %arg2[%add3A_45, %dma_start3A_55] : memref<4096x200xi32, #tpu.memory_space<hbm>> -> memref<1x72xi32, #tpu.memory_space<hbm>>
    %dma_start3A_57 = tpu.memref_squeeze %dma_start3A_56 : memref<1x72xi32, #tpu.memory_space<hbm>> -> memref<72xi32, #tpu.memory_space<hbm>>
    tpu.enqueue_dma source(%dma_start3A_57 : memref<72xi32, #tpu.memory_space<hbm>>) target(%arg12 : memref<72xi32, #tpu.memory_space<vmem>>) target_semaphore(%arg20 : memref<!tpu.dma_semaphore, #tpu.memory_space<semaphore_mem>>)
    %add3A_58 = arith.constant 0 : i32
    %add3A_59 = arith.addi %mul3A_2, %add3A_58 : i32
    %dma_wait3A = arith.constant 0 : i32
    %dma_wait3A_60 = tpu.memref_slice %arg2[%add3A_59, %dma_wait3A] : memref<4096x200xi32, #tpu.memory_space<hbm>> -> memref<1x128xi32, #tpu.memory_space<hbm>>
    %dma_wait3A_61 = tpu.memref_squeeze %dma_wait3A_60 : memref<1x128xi32, #tpu.memory_space<hbm>> -> memref<128xi32, #tpu.memory_space<hbm>>
    %dma_wait3A_62 = arith.constant 0 : i32
    %dma_wait3A_63 = tpu.memref_slice %arg2[%add3A_59, %dma_wait3A_62] : memref<4096x200xi32, #tpu.memory_space<hbm>> -> memref<1x128xi32, #tpu.memory_space<hbm>>
    %dma_wait3A_64 = tpu.memref_squeeze %dma_wait3A_63 : memref<1x128xi32, #tpu.memory_space<hbm>> -> memref<128xi32, #tpu.memory_space<hbm>>
    tpu.wait_dma2 semaphore(%arg17 : memref<!tpu.dma_semaphore, #tpu.memory_space<semaphore_mem>>) src(%dma_wait3A_64 : memref<128xi32, #tpu.memory_space<hbm>>) dst(%arg5 : memref<128xi32, #tpu.memory_space<vmem>>)
    %dma_wait3A_65 = arith.constant 128 : i32
    %dma_wait3A_66 = tpu.memref_slice %arg2[%add3A_59, %dma_wait3A_65] : memref<4096x200xi32, #tpu.memory_space<hbm>> -> memref<1x72xi32, #tpu.memory_space<hbm>>
    %dma_wait3A_67 = tpu.memref_squeeze %dma_wait3A_66 : memref<1x72xi32, #tpu.memory_space<hbm>> -> memref<72xi32, #tpu.memory_space<hbm>>
    %dma_wait3A_68 = arith.constant 128 : i32
    %dma_wait3A_69 = tpu.memref_slice %arg2[%add3A_59, %dma_wait3A_68] : memref<4096x200xi32, #tpu.memory_space<hbm>> -> memref<1x72xi32, #tpu.memory_space<hbm>>
    %dma_wait3A_70 = tpu.memref_squeeze %dma_wait3A_69 : memref<1x72xi32, #tpu.memory_space<hbm>> -> memref<72xi32, #tpu.memory_space<hbm>>
    tpu.wait_dma2 semaphore(%arg17 : memref<!tpu.dma_semaphore, #tpu.memory_space<semaphore_mem>>) src(%dma_wait3A_70 : memref<72xi32, #tpu.memory_space<hbm>>) dst(%arg9 : memref<72xi32, #tpu.memory_space<vmem>>)
    %dma_start3A_71 = arith.constant 0 : i32
    %dma_start3A_72 = arith.constant 0 : i32
    %dma_start3A_73 = tpu.memref_slice %arg13[%dma_start3A_71, %dma_start3A_72] : memref<200x64xf32, #tpu.memory_space<vmem>> -> memref<128x64xf32, #tpu.memory_space<vmem>>
    %dma_start3A_74 = arith.constant 0 : i32
    %dma_start3A_75 = arith.constant 0 : i32
    %dma_start3A_76 = tpu.memref_slice %arg3[%dma_start3A_74, %dma_start3A_75] : memref<1000000x64xf32, #tpu.memory_space<hbm>> -> memref<1000000x64xf32, #tpu.memory_space<hbm>>
    tpu.enqueue_indirect_dma source(%dma_start3A_76 : memref<1000000x64xf32, #tpu.memory_space<hbm>>) target(%dma_start3A_73 : memref<128x64xf32, #tpu.memory_space<vmem>>) offsets(%arg5 : memref<128xi32, #tpu.memory_space<vmem>>) semaphore(%arg21 : memref<!tpu.dma_semaphore, #tpu.memory_space<semaphore_mem>>)
    %dma_start3A_77 = arith.constant 128 : i32
    %dma_start3A_78 = arith.constant 0 : i32
    %dma_start3A_79 = tpu.memref_slice %arg13[%dma_start3A_77, %dma_start3A_78] : memref<200x64xf32, #tpu.memory_space<vmem>> -> memref<72x64xf32, #tpu.memory_space<vmem>>
    %dma_start3A_80 = arith.constant 0 : i32
    %dma_start3A_81 = arith.constant 0 : i32
    %dma_start3A_82 = tpu.memref_slice %arg3[%dma_start3A_80, %dma_start3A_81] : memref<1000000x64xf32, #tpu.memory_space<hbm>> -> memref<1000000x64xf32, #tpu.memory_space<hbm>>
    tpu.enqueue_indirect_dma source(%dma_start3A_82 : memref<1000000x64xf32, #tpu.memory_space<hbm>>) target(%dma_start3A_79 : memref<72x64xf32, #tpu.memory_space<vmem>>) offsets(%arg9 : memref<72xi32, #tpu.memory_space<vmem>>) semaphore(%arg21 : memref<!tpu.dma_semaphore, #tpu.memory_space<semaphore_mem>>)
    %add3A_83 = arith.constant 1 : i32
    %add3A_84 = arith.addi %mul3A_2, %add3A_83 : i32
    %dma_wait3A_85 = arith.constant 0 : i32
    %dma_wait3A_86 = tpu.memref_slice %arg2[%add3A_84, %dma_wait3A_85] : memref<4096x200xi32, #tpu.memory_space<hbm>> -> memref<1x128xi32, #tpu.memory_space<hbm>>
    %dma_wait3A_87 = tpu.memref_squeeze %dma_wait3A_86 : memref<1x128xi32, #tpu.memory_space<hbm>> -> memref<128xi32, #tpu.memory_space<hbm>>
    %dma_wait3A_88 = arith.constant 0 : i32
    %dma_wait3A_89 = tpu.memref_slice %arg2[%add3A_84, %dma_wait3A_88] : memref<4096x200xi32, #tpu.memory_space<hbm>> -> memref<1x128xi32, #tpu.memory_space<hbm>>
    %dma_wait3A_90 = tpu.memref_squeeze %dma_wait3A_89 : memref<1x128xi32, #tpu.memory_space<hbm>> -> memref<128xi32, #tpu.memory_space<hbm>>
    tpu.wait_dma2 semaphore(%arg18 : memref<!tpu.dma_semaphore, #tpu.memory_space<semaphore_mem>>) src(%dma_wait3A_90 : memref<128xi32, #tpu.memory_space<hbm>>) dst(%arg6 : memref<128xi32, #tpu.memory_space<vmem>>)
    %dma_wait3A_91 = arith.constant 128 : i32
    %dma_wait3A_92 = tpu.memref_slice %arg2[%add3A_84, %dma_wait3A_91] : memref<4096x200xi32, #tpu.memory_space<hbm>> -> memref<1x72xi32, #tpu.memory_space<hbm>>
    %dma_wait3A_93 = tpu.memref_squeeze %dma_wait3A_92 : memref<1x72xi32, #tpu.memory_space<hbm>> -> memref<72xi32, #tpu.memory_space<hbm>>
    %dma_wait3A_94 = arith.constant 128 : i32
    %dma_wait3A_95 = tpu.memref_slice %arg2[%add3A_84, %dma_wait3A_94] : memref<4096x200xi32, #tpu.memory_space<hbm>> -> memref<1x72xi32, #tpu.memory_space<hbm>>
    %dma_wait3A_96 = tpu.memref_squeeze %dma_wait3A_95 : memref<1x72xi32, #tpu.memory_space<hbm>> -> memref<72xi32, #tpu.memory_space<hbm>>
    tpu.wait_dma2 semaphore(%arg18 : memref<!tpu.dma_semaphore, #tpu.memory_space<semaphore_mem>>) src(%dma_wait3A_96 : memref<72xi32, #tpu.memory_space<hbm>>) dst(%arg10 : memref<72xi32, #tpu.memory_space<vmem>>)
    %dma_start3A_97 = arith.constant 0 : i32
    %dma_start3A_98 = arith.constant 0 : i32
    %dma_start3A_99 = tpu.memref_slice %arg14[%dma_start3A_97, %dma_start3A_98] : memref<200x64xf32, #tpu.memory_space<vmem>> -> memref<128x64xf32, #tpu.memory_space<vmem>>
    %dma_start3A_100 = arith.constant 0 : i32
    %dma_start3A_101 = arith.constant 0 : i32
    %dma_start3A_102 = tpu.memref_slice %arg3[%dma_start3A_100, %dma_start3A_101] : memref<1000000x64xf32, #tpu.memory_space<hbm>> -> memref<1000000x64xf32, #tpu.memory_space<hbm>>
    tpu.enqueue_indirect_dma source(%dma_start3A_102 : memref<1000000x64xf32, #tpu.memory_space<hbm>>) target(%dma_start3A_99 : memref<128x64xf32, #tpu.memory_space<vmem>>) offsets(%arg6 : memref<128xi32, #tpu.memory_space<vmem>>) semaphore(%arg22 : memref<!tpu.dma_semaphore, #tpu.memory_space<semaphore_mem>>)
    %dma_start3A_103 = arith.constant 128 : i32
    %dma_start3A_104 = arith.constant 0 : i32
    %dma_start3A_105 = tpu.memref_slice %arg14[%dma_start3A_103, %dma_start3A_104] : memref<200x64xf32, #tpu.memory_space<vmem>> -> memref<72x64xf32, #tpu.memory_space<vmem>>
    %dma_start3A_106 = arith.constant 0 : i32
    %dma_start3A_107 = arith.constant 0 : i32
    %dma_start3A_108 = tpu.memref_slice %arg3[%dma_start3A_106, %dma_start3A_107] : memref<1000000x64xf32, #tpu.memory_space<hbm>> -> memref<1000000x64xf32, #tpu.memory_space<hbm>>
    tpu.enqueue_indirect_dma source(%dma_start3A_108 : memref<1000000x64xf32, #tpu.memory_space<hbm>>) target(%dma_start3A_105 : memref<72x64xf32, #tpu.memory_space<vmem>>) offsets(%arg10 : memref<72xi32, #tpu.memory_space<vmem>>) semaphore(%arg22 : memref<!tpu.dma_semaphore, #tpu.memory_space<semaphore_mem>>)
    %dma_wait3A_109 = arith.constant 0 : i32
    %dma_wait3A_110 = arith.constant 0 : i32
    %dma_wait3A_111 = tpu.memref_slice %arg13[%dma_wait3A_109, %dma_wait3A_110] : memref<200x64xf32, #tpu.memory_space<vmem>> -> memref<128x64xf32, #tpu.memory_space<vmem>>
    %dma_wait3A_112 = arith.constant 0 : i32
    %dma_wait3A_113 = arith.constant 0 : i32
    %dma_wait3A_114 = tpu.memref_slice %arg3[%dma_wait3A_112, %dma_wait3A_113] : memref<1000000x64xf32, #tpu.memory_space<hbm>> -> memref<1000000x64xf32, #tpu.memory_space<hbm>>
    tpu.wait_indirect_dma semaphore(%arg21 : memref<!tpu.dma_semaphore, #tpu.memory_space<semaphore_mem>>) src(%dma_wait3A_114 : memref<1000000x64xf32, #tpu.memory_space<hbm>>) dst(%dma_wait3A_111 : memref<128x64xf32, #tpu.memory_space<vmem>>)
    %dma_wait3A_115 = arith.constant 128 : i32
    %dma_wait3A_116 = arith.constant 0 : i32
    %dma_wait3A_117 = tpu.memref_slice %arg13[%dma_wait3A_115, %dma_wait3A_116] : memref<200x64xf32, #tpu.memory_space<vmem>> -> memref<72x64xf32, #tpu.memory_space<vmem>>
    %dma_wait3A_118 = arith.constant 0 : i32
    %dma_wait3A_119 = arith.constant 0 : i32
    %dma_wait3A_120 = tpu.memref_slice %arg3[%dma_wait3A_118, %dma_wait3A_119] : memref<1000000x64xf32, #tpu.memory_space<hbm>> -> memref<1000000x64xf32, #tpu.memory_space<hbm>>
    tpu.wait_indirect_dma semaphore(%arg21 : memref<!tpu.dma_semaphore, #tpu.memory_space<semaphore_mem>>) src(%dma_wait3A_120 : memref<1000000x64xf32, #tpu.memory_space<hbm>>) dst(%dma_wait3A_117 : memref<72x64xf32, #tpu.memory_space<vmem>>)
    %add3A_121 = arith.constant 4 : i32
    %add3A_122 = arith.addi %mul3A_2, %add3A_121 : i32
    %dma_start3A_123 = arith.constant 0 : i32
    %dma_start3A_124 = tpu.memref_slice %arg2[%add3A_122, %dma_start3A_123] : memref<4096x200xi32, #tpu.memory_space<hbm>> -> memref<1x128xi32, #tpu.memory_space<hbm>>
    %dma_start3A_125 = tpu.memref_squeeze %dma_start3A_124 : memref<1x128xi32, #tpu.memory_space<hbm>> -> memref<128xi32, #tpu.memory_space<hbm>>
    %dma_start3A_126 = arith.constant 0 : i32
    %dma_start3A_127 = tpu.memref_slice %arg2[%add3A_122, %dma_start3A_126] : memref<4096x200xi32, #tpu.memory_space<hbm>> -> memref<1x128xi32, #tpu.memory_space<hbm>>
    %dma_start3A_128 = tpu.memref_squeeze %dma_start3A_127 : memref<1x128xi32, #tpu.memory_space<hbm>> -> memref<128xi32, #tpu.memory_space<hbm>>
    tpu.enqueue_dma source(%dma_start3A_128 : memref<128xi32, #tpu.memory_space<hbm>>) target(%arg5 : memref<128xi32, #tpu.memory_space<vmem>>) target_semaphore(%arg17 : memref<!tpu.dma_semaphore, #tpu.memory_space<semaphore_mem>>)
    %dma_start3A_129 = arith.constant 128 : i32
    %dma_start3A_130 = tpu.memref_slice %arg2[%add3A_122, %dma_start3A_129] : memref<4096x200xi32, #tpu.memory_space<hbm>> -> memref<1x72xi32, #tpu.memory_space<hbm>>
    %dma_start3A_131 = tpu.memref_squeeze %dma_start3A_130 : memref<1x72xi32, #tpu.memory_space<hbm>> -> memref<72xi32, #tpu.memory_space<hbm>>
    %dma_start3A_132 = arith.constant 128 : i32
    %dma_start3A_133 = tpu.memref_slice %arg2[%add3A_122, %dma_start3A_132] : memref<4096x200xi32, #tpu.memory_space<hbm>> -> memref<1x72xi32, #tpu.memory_space<hbm>>
    %dma_start3A_134 = tpu.memref_squeeze %dma_start3A_133 : memref<1x72xi32, #tpu.memory_space<hbm>> -> memref<72xi32, #tpu.memory_space<hbm>>
    tpu.enqueue_dma source(%dma_start3A_134 : memref<72xi32, #tpu.memory_space<hbm>>) target(%arg9 : memref<72xi32, #tpu.memory_space<vmem>>) target_semaphore(%arg17 : memref<!tpu.dma_semaphore, #tpu.memory_space<semaphore_mem>>)
    %add3A_135 = arith.constant 0 : i32
    %add3A_136 = arith.addi %mul3A_2, %add3A_135 : i32
    %dma_start3A_137 = arith.constant 0 : i32
    %dma_start3A_138 = arith.constant 0 : i32
    %dma_start3A_139 = tpu.memref_slice %arg4[%add3A_136, %dma_start3A_137, %dma_start3A_138] : memref<4096x200x64xf32, #tpu.memory_space<hbm>> -> memref<1x200x64xf32, #tpu.memory_space<hbm>>
    %dma_start3A_140 = tpu.memref_squeeze %dma_start3A_139 : memref<1x200x64xf32, #tpu.memory_space<hbm>> -> memref<200x64xf32, #tpu.memory_space<hbm>>
    %dma_start3A_141 = arith.constant 0 : i32
    %dma_start3A_142 = arith.constant 0 : i32
    %dma_start3A_143 = tpu.memref_slice %arg4[%add3A_136, %dma_start3A_141, %dma_start3A_142] : memref<4096x200x64xf32, #tpu.memory_space<hbm>> -> memref<1x200x64xf32, #tpu.memory_space<hbm>>
    %dma_start3A_144 = tpu.memref_squeeze %dma_start3A_143 : memref<1x200x64xf32, #tpu.memory_space<hbm>> -> memref<200x64xf32, #tpu.memory_space<hbm>>
    tpu.enqueue_dma source(%arg13 : memref<200x64xf32, #tpu.memory_space<vmem>>) target(%dma_start3A_144 : memref<200x64xf32, #tpu.memory_space<hbm>>) target_semaphore(%arg25 : memref<!tpu.dma_semaphore, #tpu.memory_space<semaphore_mem>>)
    %add3A_145 = arith.constant 2 : i32
    %add3A_146 = arith.addi %mul3A_2, %add3A_145 : i32
    %dma_wait3A_147 = arith.constant 0 : i32
    %dma_wait3A_148 = tpu.memref_slice %arg2[%add3A_146, %dma_wait3A_147] : memref<4096x200xi32, #tpu.memory_space<hbm>> -> memref<1x128xi32, #tpu.memory_space<hbm>>
    %dma_wait3A_149 = tpu.memref_squeeze %dma_wait3A_148 : memref<1x128xi32, #tpu.memory_space<hbm>> -> memref<128xi32, #tpu.memory_space<hbm>>
    %dma_wait3A_150 = arith.constant 0 : i32
    %dma_wait3A_151 = tpu.memref_slice %arg2[%add3A_146, %dma_wait3A_150] : memref<4096x200xi32, #tpu.memory_space<hbm>> -> memref<1x128xi32, #tpu.memory_space<hbm>>
    %dma_wait3A_152 = tpu.memref_squeeze %dma_wait3A_151 : memref<1x128xi32, #tpu.memory_space<hbm>> -> memref<128xi32, #tpu.memory_space<hbm>>
    tpu.wait_dma2 semaphore(%arg19 : memref<!tpu.dma_semaphore, #tpu.memory_space<semaphore_mem>>) src(%dma_wait3A_152 : memref<128xi32, #tpu.memory_space<hbm>>) dst(%arg7 : memref<128xi32, #tpu.memory_space<vmem>>)
    %dma_wait3A_153 = arith.constant 128 : i32
    %dma_wait3A_154 = tpu.memref_slice %arg2[%add3A_146, %dma_wait3A_153] : memref<4096x200xi32, #tpu.memory_space<hbm>> -> memref<1x72xi32, #tpu.memory_space<hbm>>
    %dma_wait3A_155 = tpu.memref_squeeze %dma_wait3A_154 : memref<1x72xi32, #tpu.memory_space<hbm>> -> memref<72xi32, #tpu.memory_space<hbm>>
    %dma_wait3A_156 = arith.constant 128 : i32
    %dma_wait3A_157 = tpu.memref_slice %arg2[%add3A_146, %dma_wait3A_156] : memref<4096x200xi32, #tpu.memory_space<hbm>> -> memref<1x72xi32, #tpu.memory_space<hbm>>
    %dma_wait3A_158 = tpu.memref_squeeze %dma_wait3A_157 : memref<1x72xi32, #tpu.memory_space<hbm>> -> memref<72xi32, #tpu.memory_space<hbm>>
    tpu.wait_dma2 semaphore(%arg19 : memref<!tpu.dma_semaphore, #tpu.memory_space<semaphore_mem>>) src(%dma_wait3A_158 : memref<72xi32, #tpu.memory_space<hbm>>) dst(%arg11 : memref<72xi32, #tpu.memory_space<vmem>>)
    %dma_start3A_159 = arith.constant 0 : i32
    %dma_start3A_160 = arith.constant 0 : i32
    %dma_start3A_161 = tpu.memref_slice %arg15[%dma_start3A_159, %dma_start3A_160] : memref<200x64xf32, #tpu.memory_space<vmem>> -> memref<128x64xf32, #tpu.memory_space<vmem>>
    %dma_start3A_162 = arith.constant 0 : i32
    %dma_start3A_163 = arith.constant 0 : i32
    %dma_start3A_164 = tpu.memref_slice %arg3[%dma_start3A_162, %dma_start3A_163] : memref<1000000x64xf32, #tpu.memory_space<hbm>> -> memref<1000000x64xf32, #tpu.memory_space<hbm>>
    tpu.enqueue_indirect_dma source(%dma_start3A_164 : memref<1000000x64xf32, #tpu.memory_space<hbm>>) target(%dma_start3A_161 : memref<128x64xf32, #tpu.memory_space<vmem>>) offsets(%arg7 : memref<128xi32, #tpu.memory_space<vmem>>) semaphore(%arg23 : memref<!tpu.dma_semaphore, #tpu.memory_space<semaphore_mem>>)
    %dma_start3A_165 = arith.constant 128 : i32
    %dma_start3A_166 = arith.constant 0 : i32
    %dma_start3A_167 = tpu.memref_slice %arg15[%dma_start3A_165, %dma_start3A_166] : memref<200x64xf32, #tpu.memory_space<vmem>> -> memref<72x64xf32, #tpu.memory_space<vmem>>
    %dma_start3A_168 = arith.constant 0 : i32
    %dma_start3A_169 = arith.constant 0 : i32
    %dma_start3A_170 = tpu.memref_slice %arg3[%dma_start3A_168, %dma_start3A_169] : memref<1000000x64xf32, #tpu.memory_space<hbm>> -> memref<1000000x64xf32, #tpu.memory_space<hbm>>
    tpu.enqueue_indirect_dma source(%dma_start3A_170 : memref<1000000x64xf32, #tpu.memory_space<hbm>>) target(%dma_start3A_167 : memref<72x64xf32, #tpu.memory_space<vmem>>) offsets(%arg11 : memref<72xi32, #tpu.memory_space<vmem>>) semaphore(%arg23 : memref<!tpu.dma_semaphore, #tpu.memory_space<semaphore_mem>>)
    %dma_wait3A_171 = arith.constant 0 : i32
    %dma_wait3A_172 = arith.constant 0 : i32
    %dma_wait3A_173 = tpu.memref_slice %arg14[%dma_wait3A_171, %dma_wait3A_172] : memref<200x64xf32, #tpu.memory_space<vmem>> -> memref<128x64xf32, #tpu.memory_space<vmem>>
    %dma_wait3A_174 = arith.constant 0 : i32
    %dma_wait3A_175 = arith.constant 0 : i32
    %dma_wait3A_176 = tpu.memref_slice %arg3[%dma_wait3A_174, %dma_wait3A_175] : memref<1000000x64xf32, #tpu.memory_space<hbm>> -> memref<1000000x64xf32, #tpu.memory_space<hbm>>
    tpu.wait_indirect_dma semaphore(%arg22 : memref<!tpu.dma_semaphore, #tpu.memory_space<semaphore_mem>>) src(%dma_wait3A_176 : memref<1000000x64xf32, #tpu.memory_space<hbm>>) dst(%dma_wait3A_173 : memref<128x64xf32, #tpu.memory_space<vmem>>)
    %dma_wait3A_177 = arith.constant 128 : i32
    %dma_wait3A_178 = arith.constant 0 : i32
    %dma_wait3A_179 = tpu.memref_slice %arg14[%dma_wait3A_177, %dma_wait3A_178] : memref<200x64xf32, #tpu.memory_space<vmem>> -> memref<72x64xf32, #tpu.memory_space<vmem>>
    %dma_wait3A_180 = arith.constant 0 : i32
    %dma_wait3A_181 = arith.constant 0 : i32
    %dma_wait3A_182 = tpu.memref_slice %arg3[%dma_wait3A_180, %dma_wait3A_181] : memref<1000000x64xf32, #tpu.memory_space<hbm>> -> memref<1000000x64xf32, #tpu.memory_space<hbm>>
    tpu.wait_indirect_dma semaphore(%arg22 : memref<!tpu.dma_semaphore, #tpu.memory_space<semaphore_mem>>) src(%dma_wait3A_182 : memref<1000000x64xf32, #tpu.memory_space<hbm>>) dst(%dma_wait3A_179 : memref<72x64xf32, #tpu.memory_space<vmem>>)
    %add3A_183 = arith.constant 5 : i32
    %add3A_184 = arith.addi %mul3A_2, %add3A_183 : i32
    %dma_start3A_185 = arith.constant 0 : i32
    %dma_start3A_186 = tpu.memref_slice %arg2[%add3A_184, %dma_start3A_185] : memref<4096x200xi32, #tpu.memory_space<hbm>> -> memref<1x128xi32, #tpu.memory_space<hbm>>
    %dma_start3A_187 = tpu.memref_squeeze %dma_start3A_186 : memref<1x128xi32, #tpu.memory_space<hbm>> -> memref<128xi32, #tpu.memory_space<hbm>>
    %dma_start3A_188 = arith.constant 0 : i32
    %dma_start3A_189 = tpu.memref_slice %arg2[%add3A_184, %dma_start3A_188] : memref<4096x200xi32, #tpu.memory_space<hbm>> -> memref<1x128xi32, #tpu.memory_space<hbm>>
    %dma_start3A_190 = tpu.memref_squeeze %dma_start3A_189 : memref<1x128xi32, #tpu.memory_space<hbm>> -> memref<128xi32, #tpu.memory_space<hbm>>
    tpu.enqueue_dma source(%dma_start3A_190 : memref<128xi32, #tpu.memory_space<hbm>>) target(%arg6 : memref<128xi32, #tpu.memory_space<vmem>>) target_semaphore(%arg18 : memref<!tpu.dma_semaphore, #tpu.memory_space<semaphore_mem>>)
    %dma_start3A_191 = arith.constant 128 : i32
    %dma_start3A_192 = tpu.memref_slice %arg2[%add3A_184, %dma_start3A_191] : memref<4096x200xi32, #tpu.memory_space<hbm>> -> memref<1x72xi32, #tpu.memory_space<hbm>>
    %dma_start3A_193 = tpu.memref_squeeze %dma_start3A_192 : memref<1x72xi32, #tpu.memory_space<hbm>> -> memref<72xi32, #tpu.memory_space<hbm>>
    %dma_start3A_194 = arith.constant 128 : i32
    %dma_start3A_195 = tpu.memref_slice %arg2[%add3A_184, %dma_start3A_194] : memref<4096x200xi32, #tpu.memory_space<hbm>> -> memref<1x72xi32, #tpu.memory_space<hbm>>
    %dma_start3A_196 = tpu.memref_squeeze %dma_start3A_195 : memref<1x72xi32, #tpu.memory_space<hbm>> -> memref<72xi32, #tpu.memory_space<hbm>>
    tpu.enqueue_dma source(%dma_start3A_196 : memref<72xi32, #tpu.memory_space<hbm>>) target(%arg10 : memref<72xi32, #tpu.memory_space<vmem>>) target_semaphore(%arg18 : memref<!tpu.dma_semaphore, #tpu.memory_space<semaphore_mem>>)
    %add3A_197 = arith.constant 1 : i32
    %add3A_198 = arith.addi %mul3A_2, %add3A_197 : i32
    %dma_start3A_199 = arith.constant 0 : i32
    %dma_start3A_200 = arith.constant 0 : i32
    %dma_start3A_201 = tpu.memref_slice %arg4[%add3A_198, %dma_start3A_199, %dma_start3A_200] : memref<4096x200x64xf32, #tpu.memory_space<hbm>> -> memref<1x200x64xf32, #tpu.memory_space<hbm>>
    %dma_start3A_202 = tpu.memref_squeeze %dma_start3A_201 : memref<1x200x64xf32, #tpu.memory_space<hbm>> -> memref<200x64xf32, #tpu.memory_space<hbm>>
    %dma_start3A_203 = arith.constant 0 : i32
    %dma_start3A_204 = arith.constant 0 : i32
    %dma_start3A_205 = tpu.memref_slice %arg4[%add3A_198, %dma_start3A_203, %dma_start3A_204] : memref<4096x200x64xf32, #tpu.memory_space<hbm>> -> memref<1x200x64xf32, #tpu.memory_space<hbm>>
    %dma_start3A_206 = tpu.memref_squeeze %dma_start3A_205 : memref<1x200x64xf32, #tpu.memory_space<hbm>> -> memref<200x64xf32, #tpu.memory_space<hbm>>
    tpu.enqueue_dma source(%arg14 : memref<200x64xf32, #tpu.memory_space<vmem>>) target(%dma_start3A_206 : memref<200x64xf32, #tpu.memory_space<hbm>>) target_semaphore(%arg26 : memref<!tpu.dma_semaphore, #tpu.memory_space<semaphore_mem>>)
    %add3A_207 = arith.constant 3 : i32
    %add3A_208 = arith.addi %mul3A_2, %add3A_207 : i32
    %dma_wait3A_209 = arith.constant 0 : i32
    %dma_wait3A_210 = tpu.memref_slice %arg2[%add3A_208, %dma_wait3A_209] : memref<4096x200xi32, #tpu.memory_space<hbm>> -> memref<1x128xi32, #tpu.memory_space<hbm>>
    %dma_wait3A_211 = tpu.memref_squeeze %dma_wait3A_210 : memref<1x128xi32, #tpu.memory_space<hbm>> -> memref<128xi32, #tpu.memory_space<hbm>>
    %dma_wait3A_212 = arith.constant 0 : i32
    %dma_wait3A_213 = tpu.memref_slice %arg2[%add3A_208, %dma_wait3A_212] : memref<4096x200xi32, #tpu.memory_space<hbm>> -> memref<1x128xi32, #tpu.memory_space<hbm>>
    %dma_wait3A_214 = tpu.memref_squeeze %dma_wait3A_213 : memref<1x128xi32, #tpu.memory_space<hbm>> -> memref<128xi32, #tpu.memory_space<hbm>>
    tpu.wait_dma2 semaphore(%arg20 : memref<!tpu.dma_semaphore, #tpu.memory_space<semaphore_mem>>) src(%dma_wait3A_214 : memref<128xi32, #tpu.memory_space<hbm>>) dst(%arg8 : memref<128xi32, #tpu.memory_space<vmem>>)
    %dma_wait3A_215 = arith.constant 128 : i32
    %dma_wait3A_216 = tpu.memref_slice %arg2[%add3A_208, %dma_wait3A_215] : memref<4096x200xi32, #tpu.memory_space<hbm>> -> memref<1x72xi32, #tpu.memory_space<hbm>>
    %dma_wait3A_217 = tpu.memref_squeeze %dma_wait3A_216 : memref<1x72xi32, #tpu.memory_space<hbm>> -> memref<72xi32, #tpu.memory_space<hbm>>
    %dma_wait3A_218 = arith.constant 128 : i32
    %dma_wait3A_219 = tpu.memref_slice %arg2[%add3A_208, %dma_wait3A_218] : memref<4096x200xi32, #tpu.memory_space<hbm>> -> memref<1x72xi32, #tpu.memory_space<hbm>>
    %dma_wait3A_220 = tpu.memref_squeeze %dma_wait3A_219 : memref<1x72xi32, #tpu.memory_space<hbm>> -> memref<72xi32, #tpu.memory_space<hbm>>
    tpu.wait_dma2 semaphore(%arg20 : memref<!tpu.dma_semaphore, #tpu.memory_space<semaphore_mem>>) src(%dma_wait3A_220 : memref<72xi32, #tpu.memory_space<hbm>>) dst(%arg12 : memref<72xi32, #tpu.memory_space<vmem>>)
    %dma_start3A_221 = arith.constant 0 : i32
    %dma_start3A_222 = arith.constant 0 : i32
    %dma_start3A_223 = tpu.memref_slice %arg16[%dma_start3A_221, %dma_start3A_222] : memref<200x64xf32, #tpu.memory_space<vmem>> -> memref<128x64xf32, #tpu.memory_space<vmem>>
    %dma_start3A_224 = arith.constant 0 : i32
    %dma_start3A_225 = arith.constant 0 : i32
    %dma_start3A_226 = tpu.memref_slice %arg3[%dma_start3A_224, %dma_start3A_225] : memref<1000000x64xf32, #tpu.memory_space<hbm>> -> memref<1000000x64xf32, #tpu.memory_space<hbm>>
    tpu.enqueue_indirect_dma source(%dma_start3A_226 : memref<1000000x64xf32, #tpu.memory_space<hbm>>) target(%dma_start3A_223 : memref<128x64xf32, #tpu.memory_space<vmem>>) offsets(%arg8 : memref<128xi32, #tpu.memory_space<vmem>>) semaphore(%arg24 : memref<!tpu.dma_semaphore, #tpu.memory_space<semaphore_mem>>)
    %dma_start3A_227 = arith.constant 128 : i32
    %dma_start3A_228 = arith.constant 0 : i32
    %dma_start3A_229 = tpu.memref_slice %arg16[%dma_start3A_227, %dma_start3A_228] : memref<200x64xf32, #tpu.memory_space<vmem>> -> memref<72x64xf32, #tpu.memory_space<vmem>>
    %dma_start3A_230 = arith.constant 0 : i32
    %dma_start3A_231 = arith.constant 0 : i32
    %dma_start3A_232 = tpu.memref_slice %arg3[%dma_start3A_230, %dma_start3A_231] : memref<1000000x64xf32, #tpu.memory_space<hbm>> -> memref<1000000x64xf32, #tpu.memory_space<hbm>>
    tpu.enqueue_indirect_dma source(%dma_start3A_232 : memref<1000000x64xf32, #tpu.memory_space<hbm>>) target(%dma_start3A_229 : memref<72x64xf32, #tpu.memory_space<vmem>>) offsets(%arg12 : memref<72xi32, #tpu.memory_space<vmem>>) semaphore(%arg24 : memref<!tpu.dma_semaphore, #tpu.memory_space<semaphore_mem>>)
    %dma_wait3A_233 = arith.constant 0 : i32
    %dma_wait3A_234 = arith.constant 0 : i32
    %dma_wait3A_235 = tpu.memref_slice %arg15[%dma_wait3A_233, %dma_wait3A_234] : memref<200x64xf32, #tpu.memory_space<vmem>> -> memref<128x64xf32, #tpu.memory_space<vmem>>
    %dma_wait3A_236 = arith.constant 0 : i32
    %dma_wait3A_237 = arith.constant 0 : i32
    %dma_wait3A_238 = tpu.memref_slice %arg3[%dma_wait3A_236, %dma_wait3A_237] : memref<1000000x64xf32, #tpu.memory_space<hbm>> -> memref<1000000x64xf32, #tpu.memory_space<hbm>>
    tpu.wait_indirect_dma semaphore(%arg23 : memref<!tpu.dma_semaphore, #tpu.memory_space<semaphore_mem>>) src(%dma_wait3A_238 : memref<1000000x64xf32, #tpu.memory_space<hbm>>) dst(%dma_wait3A_235 : memref<128x64xf32, #tpu.memory_space<vmem>>)
    %dma_wait3A_239 = arith.constant 128 : i32
    %dma_wait3A_240 = arith.constant 0 : i32
    %dma_wait3A_241 = tpu.memref_slice %arg15[%dma_wait3A_239, %dma_wait3A_240] : memref<200x64xf32, #tpu.memory_space<vmem>> -> memref<72x64xf32, #tpu.memory_space<vmem>>
    %dma_wait3A_242 = arith.constant 0 : i32
    %dma_wait3A_243 = arith.constant 0 : i32
    %dma_wait3A_244 = tpu.memref_slice %arg3[%dma_wait3A_242, %dma_wait3A_243] : memref<1000000x64xf32, #tpu.memory_space<hbm>> -> memref<1000000x64xf32, #tpu.memory_space<hbm>>
    tpu.wait_indirect_dma semaphore(%arg23 : memref<!tpu.dma_semaphore, #tpu.memory_space<semaphore_mem>>) src(%dma_wait3A_244 : memref<1000000x64xf32, #tpu.memory_space<hbm>>) dst(%dma_wait3A_241 : memref<72x64xf32, #tpu.memory_space<vmem>>)
    %add3A_245 = arith.constant 6 : i32
    %add3A_246 = arith.addi %mul3A_2, %add3A_245 : i32
    %dma_start3A_247 = arith.constant 0 : i32
    %dma_start3A_248 = tpu.memref_slice %arg2[%add3A_246, %dma_start3A_247] : memref<4096x200xi32, #tpu.memory_space<hbm>> -> memref<1x128xi32, #tpu.memory_space<hbm>>
    %dma_start3A_249 = tpu.memref_squeeze %dma_start3A_248 : memref<1x128xi32, #tpu.memory_space<hbm>> -> memref<128xi32, #tpu.memory_space<hbm>>
    %dma_start3A_250 = arith.constant 0 : i32
    %dma_start3A_251 = tpu.memref_slice %arg2[%add3A_246, %dma_start3A_250] : memref<4096x200xi32, #tpu.memory_space<hbm>> -> memref<1x128xi32, #tpu.memory_space<hbm>>
    %dma_start3A_252 = tpu.memref_squeeze %dma_start3A_251 : memref<1x128xi32, #tpu.memory_space<hbm>> -> memref<128xi32, #tpu.memory_space<hbm>>
    tpu.enqueue_dma source(%dma_start3A_252 : memref<128xi32, #tpu.memory_space<hbm>>) target(%arg7 : memref<128xi32, #tpu.memory_space<vmem>>) target_semaphore(%arg19 : memref<!tpu.dma_semaphore, #tpu.memory_space<semaphore_mem>>)
    %dma_start3A_253 = arith.constant 128 : i32
    %dma_start3A_254 = tpu.memref_slice %arg2[%add3A_246, %dma_start3A_253] : memref<4096x200xi32, #tpu.memory_space<hbm>> -> memref<1x72xi32, #tpu.memory_space<hbm>>
    %dma_start3A_255 = tpu.memref_squeeze %dma_start3A_254 : memref<1x72xi32, #tpu.memory_space<hbm>> -> memref<72xi32, #tpu.memory_space<hbm>>
    %dma_start3A_256 = arith.constant 128 : i32
    %dma_start3A_257 = tpu.memref_slice %arg2[%add3A_246, %dma_start3A_256] : memref<4096x200xi32, #tpu.memory_space<hbm>> -> memref<1x72xi32, #tpu.memory_space<hbm>>
    %dma_start3A_258 = tpu.memref_squeeze %dma_start3A_257 : memref<1x72xi32, #tpu.memory_space<hbm>> -> memref<72xi32, #tpu.memory_space<hbm>>
    tpu.enqueue_dma source(%dma_start3A_258 : memref<72xi32, #tpu.memory_space<hbm>>) target(%arg11 : memref<72xi32, #tpu.memory_space<vmem>>) target_semaphore(%arg19 : memref<!tpu.dma_semaphore, #tpu.memory_space<semaphore_mem>>)
    %add3A_259 = arith.constant 2 : i32
    %add3A_260 = arith.addi %mul3A_2, %add3A_259 : i32
    %dma_start3A_261 = arith.constant 0 : i32
    %dma_start3A_262 = arith.constant 0 : i32
    %dma_start3A_263 = tpu.memref_slice %arg4[%add3A_260, %dma_start3A_261, %dma_start3A_262] : memref<4096x200x64xf32, #tpu.memory_space<hbm>> -> memref<1x200x64xf32, #tpu.memory_space<hbm>>
    %dma_start3A_264 = tpu.memref_squeeze %dma_start3A_263 : memref<1x200x64xf32, #tpu.memory_space<hbm>> -> memref<200x64xf32, #tpu.memory_space<hbm>>
    %dma_start3A_265 = arith.constant 0 : i32
    %dma_start3A_266 = arith.constant 0 : i32
    %dma_start3A_267 = tpu.memref_slice %arg4[%add3A_260, %dma_start3A_265, %dma_start3A_266] : memref<4096x200x64xf32, #tpu.memory_space<hbm>> -> memref<1x200x64xf32, #tpu.memory_space<hbm>>
    %dma_start3A_268 = tpu.memref_squeeze %dma_start3A_267 : memref<1x200x64xf32, #tpu.memory_space<hbm>> -> memref<200x64xf32, #tpu.memory_space<hbm>>
    tpu.enqueue_dma source(%arg15 : memref<200x64xf32, #tpu.memory_space<vmem>>) target(%dma_start3A_268 : memref<200x64xf32, #tpu.memory_space<hbm>>) target_semaphore(%arg27 : memref<!tpu.dma_semaphore, #tpu.memory_space<semaphore_mem>>)
    %add3A_269 = arith.constant 0 : i32
    %add3A_270 = arith.addi %mul3A_2, %add3A_269 : i32
    %dma_wait3A_271 = arith.constant 0 : i32
    %dma_wait3A_272 = arith.constant 0 : i32
    %dma_wait3A_273 = tpu.memref_slice %arg4[%add3A_270, %dma_wait3A_271, %dma_wait3A_272] : memref<4096x200x64xf32, #tpu.memory_space<hbm>> -> memref<1x200x64xf32, #tpu.memory_space<hbm>>
    %dma_wait3A_274 = tpu.memref_squeeze %dma_wait3A_273 : memref<1x200x64xf32, #tpu.memory_space<hbm>> -> memref<200x64xf32, #tpu.memory_space<hbm>>
    %dma_wait3A_275 = arith.constant 0 : i32
    %dma_wait3A_276 = arith.constant 0 : i32
    %dma_wait3A_277 = tpu.memref_slice %arg4[%add3A_270, %dma_wait3A_275, %dma_wait3A_276] : memref<4096x200x64xf32, #tpu.memory_space<hbm>> -> memref<1x200x64xf32, #tpu.memory_space<hbm>>
    %dma_wait3A_278 = tpu.memref_squeeze %dma_wait3A_277 : memref<1x200x64xf32, #tpu.memory_space<hbm>> -> memref<200x64xf32, #tpu.memory_space<hbm>>
    tpu.wait_dma2 semaphore(%arg25 : memref<!tpu.dma_semaphore, #tpu.memory_space<semaphore_mem>>) src(%arg13 : memref<200x64xf32, #tpu.memory_space<vmem>>) dst(%dma_wait3A_278 : memref<200x64xf32, #tpu.memory_space<hbm>>)
    %add3A_279 = arith.constant 4 : i32
    %add3A_280 = arith.addi %mul3A_2, %add3A_279 : i32
    %dma_wait3A_281 = arith.constant 0 : i32
    %dma_wait3A_282 = tpu.memref_slice %arg2[%add3A_280, %dma_wait3A_281] : memref<4096x200xi32, #tpu.memory_space<hbm>> -> memref<1x128xi32, #tpu.memory_space<hbm>>
    %dma_wait3A_283 = tpu.memref_squeeze %dma_wait3A_282 : memref<1x128xi32, #tpu.memory_space<hbm>> -> memref<128xi32, #tpu.memory_space<hbm>>
    %dma_wait3A_284 = arith.constant 0 : i32
    %dma_wait3A_285 = tpu.memref_slice %arg2[%add3A_280, %dma_wait3A_284] : memref<4096x200xi32, #tpu.memory_space<hbm>> -> memref<1x128xi32, #tpu.memory_space<hbm>>
    %dma_wait3A_286 = tpu.memref_squeeze %dma_wait3A_285 : memref<1x128xi32, #tpu.memory_space<hbm>> -> memref<128xi32, #tpu.memory_space<hbm>>
    tpu.wait_dma2 semaphore(%arg17 : memref<!tpu.dma_semaphore, #tpu.memory_space<semaphore_mem>>) src(%dma_wait3A_286 : memref<128xi32, #tpu.memory_space<hbm>>) dst(%arg5 : memref<128xi32, #tpu.memory_space<vmem>>)
    %dma_wait3A_287 = arith.constant 128 : i32
    %dma_wait3A_288 = tpu.memref_slice %arg2[%add3A_280, %dma_wait3A_287] : memref<4096x200xi32, #tpu.memory_space<hbm>> -> memref<1x72xi32, #tpu.memory_space<hbm>>
    %dma_wait3A_289 = tpu.memref_squeeze %dma_wait3A_288 : memref<1x72xi32, #tpu.memory_space<hbm>> -> memref<72xi32, #tpu.memory_space<hbm>>
    %dma_wait3A_290 = arith.constant 128 : i32
    %dma_wait3A_291 = tpu.memref_slice %arg2[%add3A_280, %dma_wait3A_290] : memref<4096x200xi32, #tpu.memory_space<hbm>> -> memref<1x72xi32, #tpu.memory_space<hbm>>
    %dma_wait3A_292 = tpu.memref_squeeze %dma_wait3A_291 : memref<1x72xi32, #tpu.memory_space<hbm>> -> memref<72xi32, #tpu.memory_space<hbm>>
    tpu.wait_dma2 semaphore(%arg17 : memref<!tpu.dma_semaphore, #tpu.memory_space<semaphore_mem>>) src(%dma_wait3A_292 : memref<72xi32, #tpu.memory_space<hbm>>) dst(%arg9 : memref<72xi32, #tpu.memory_space<vmem>>)
    %dma_start3A_293 = arith.constant 0 : i32
    %dma_start3A_294 = arith.constant 0 : i32
    %dma_start3A_295 = tpu.memref_slice %arg13[%dma_start3A_293, %dma_start3A_294] : memref<200x64xf32, #tpu.memory_space<vmem>> -> memref<128x64xf32, #tpu.memory_space<vmem>>
    %dma_start3A_296 = arith.constant 0 : i32
    %dma_start3A_297 = arith.constant 0 : i32
    %dma_start3A_298 = tpu.memref_slice %arg3[%dma_start3A_296, %dma_start3A_297] : memref<1000000x64xf32, #tpu.memory_space<hbm>> -> memref<1000000x64xf32, #tpu.memory_space<hbm>>
    tpu.enqueue_indirect_dma source(%dma_start3A_298 : memref<1000000x64xf32, #tpu.memory_space<hbm>>) target(%dma_start3A_295 : memref<128x64xf32, #tpu.memory_space<vmem>>) offsets(%arg5 : memref<128xi32, #tpu.memory_space<vmem>>) semaphore(%arg21 : memref<!tpu.dma_semaphore, #tpu.memory_space<semaphore_mem>>)
    %dma_start3A_299 = arith.constant 128 : i32
    %dma_start3A_300 = arith.constant 0 : i32
    %dma_start3A_301 = tpu.memref_slice %arg13[%dma_start3A_299, %dma_start3A_300] : memref<200x64xf32, #tpu.memory_space<vmem>> -> memref<72x64xf32, #tpu.memory_space<vmem>>
    %dma_start3A_302 = arith.constant 0 : i32
    %dma_start3A_303 = arith.constant 0 : i32
    %dma_start3A_304 = tpu.memref_slice %arg3[%dma_start3A_302, %dma_start3A_303] : memref<1000000x64xf32, #tpu.memory_space<hbm>> -> memref<1000000x64xf32, #tpu.memory_space<hbm>>
    tpu.enqueue_indirect_dma source(%dma_start3A_304 : memref<1000000x64xf32, #tpu.memory_space<hbm>>) target(%dma_start3A_301 : memref<72x64xf32, #tpu.memory_space<vmem>>) offsets(%arg9 : memref<72xi32, #tpu.memory_space<vmem>>) semaphore(%arg21 : memref<!tpu.dma_semaphore, #tpu.memory_space<semaphore_mem>>)
    %dma_wait3A_305 = arith.constant 0 : i32
    %dma_wait3A_306 = arith.constant 0 : i32
    %dma_wait3A_307 = tpu.memref_slice %arg16[%dma_wait3A_305, %dma_wait3A_306] : memref<200x64xf32, #tpu.memory_space<vmem>> -> memref<128x64xf32, #tpu.memory_space<vmem>>
    %dma_wait3A_308 = arith.constant 0 : i32
    %dma_wait3A_309 = arith.constant 0 : i32
    %dma_wait3A_310 = tpu.memref_slice %arg3[%dma_wait3A_308, %dma_wait3A_309] : memref<1000000x64xf32, #tpu.memory_space<hbm>> -> memref<1000000x64xf32, #tpu.memory_space<hbm>>
    tpu.wait_indirect_dma semaphore(%arg24 : memref<!tpu.dma_semaphore, #tpu.memory_space<semaphore_mem>>) src(%dma_wait3A_310 : memref<1000000x64xf32, #tpu.memory_space<hbm>>) dst(%dma_wait3A_307 : memref<128x64xf32, #tpu.memory_space<vmem>>)
    %dma_wait3A_311 = arith.constant 128 : i32
    %dma_wait3A_312 = arith.constant 0 : i32
    %dma_wait3A_313 = tpu.memref_slice %arg16[%dma_wait3A_311, %dma_wait3A_312] : memref<200x64xf32, #tpu.memory_space<vmem>> -> memref<72x64xf32, #tpu.memory_space<vmem>>
    %dma_wait3A_314 = arith.constant 0 : i32
    %dma_wait3A_315 = arith.constant 0 : i32
    %dma_wait3A_316 = tpu.memref_slice %arg3[%dma_wait3A_314, %dma_wait3A_315] : memref<1000000x64xf32, #tpu.memory_space<hbm>> -> memref<1000000x64xf32, #tpu.memory_space<hbm>>
    tpu.wait_indirect_dma semaphore(%arg24 : memref<!tpu.dma_semaphore, #tpu.memory_space<semaphore_mem>>) src(%dma_wait3A_316 : memref<1000000x64xf32, #tpu.memory_space<hbm>>) dst(%dma_wait3A_313 : memref<72x64xf32, #tpu.memory_space<vmem>>)
    %add3A_317 = arith.constant 7 : i32
    %add3A_318 = arith.addi %mul3A_2, %add3A_317 : i32
    %dma_start3A_319 = arith.constant 0 : i32
    %dma_start3A_320 = tpu.memref_slice %arg2[%add3A_318, %dma_start3A_319] : memref<4096x200xi32, #tpu.memory_space<hbm>> -> memref<1x128xi32, #tpu.memory_space<hbm>>
    %dma_start3A_321 = tpu.memref_squeeze %dma_start3A_320 : memref<1x128xi32, #tpu.memory_space<hbm>> -> memref<128xi32, #tpu.memory_space<hbm>>
    %dma_start3A_322 = arith.constant 0 : i32
    %dma_start3A_323 = tpu.memref_slice %arg2[%add3A_318, %dma_start3A_322] : memref<4096x200xi32, #tpu.memory_space<hbm>> -> memref<1x128xi32, #tpu.memory_space<hbm>>
    %dma_start3A_324 = tpu.memref_squeeze %dma_start3A_323 : memref<1x128xi32, #tpu.memory_space<hbm>> -> memref<128xi32, #tpu.memory_space<hbm>>
    tpu.enqueue_dma source(%dma_start3A_324 : memref<128xi32, #tpu.memory_space<hbm>>) target(%arg8 : memref<128xi32, #tpu.memory_space<vmem>>) target_semaphore(%arg20 : memref<!tpu.dma_semaphore, #tpu.memory_space<semaphore_mem>>)
    %dma_start3A_325 = arith.constant 128 : i32
    %dma_start3A_326 = tpu.memref_slice %arg2[%add3A_318, %dma_start3A_325] : memref<4096x200xi32, #tpu.memory_space<hbm>> -> memref<1x72xi32, #tpu.memory_space<hbm>>
    %dma_start3A_327 = tpu.memref_squeeze %dma_start3A_326 : memref<1x72xi32, #tpu.memory_space<hbm>> -> memref<72xi32, #tpu.memory_space<hbm>>
    %dma_start3A_328 = arith.constant 128 : i32
    %dma_start3A_329 = tpu.memref_slice %arg2[%add3A_318, %dma_start3A_328] : memref<4096x200xi32, #tpu.memory_space<hbm>> -> memref<1x72xi32, #tpu.memory_space<hbm>>
    %dma_start3A_330 = tpu.memref_squeeze %dma_start3A_329 : memref<1x72xi32, #tpu.memory_space<hbm>> -> memref<72xi32, #tpu.memory_space<hbm>>
    tpu.enqueue_dma source(%dma_start3A_330 : memref<72xi32, #tpu.memory_space<hbm>>) target(%arg12 : memref<72xi32, #tpu.memory_space<vmem>>) target_semaphore(%arg20 : memref<!tpu.dma_semaphore, #tpu.memory_space<semaphore_mem>>)
    %add3A_331 = arith.constant 3 : i32
    %add3A_332 = arith.addi %mul3A_2, %add3A_331 : i32
    %dma_start3A_333 = arith.constant 0 : i32
    %dma_start3A_334 = arith.constant 0 : i32
    %dma_start3A_335 = tpu.memref_slice %arg4[%add3A_332, %dma_start3A_333, %dma_start3A_334] : memref<4096x200x64xf32, #tpu.memory_space<hbm>> -> memref<1x200x64xf32, #tpu.memory_space<hbm>>
    %dma_start3A_336 = tpu.memref_squeeze %dma_start3A_335 : memref<1x200x64xf32, #tpu.memory_space<hbm>> -> memref<200x64xf32, #tpu.memory_space<hbm>>
    %dma_start3A_337 = arith.constant 0 : i32
    %dma_start3A_338 = arith.constant 0 : i32
    %dma_start3A_339 = tpu.memref_slice %arg4[%add3A_332, %dma_start3A_337, %dma_start3A_338] : memref<4096x200x64xf32, #tpu.memory_space<hbm>> -> memref<1x200x64xf32, #tpu.memory_space<hbm>>
    %dma_start3A_340 = tpu.memref_squeeze %dma_start3A_339 : memref<1x200x64xf32, #tpu.memory_space<hbm>> -> memref<200x64xf32, #tpu.memory_space<hbm>>
    tpu.enqueue_dma source(%arg16 : memref<200x64xf32, #tpu.memory_space<vmem>>) target(%dma_start3A_340 : memref<200x64xf32, #tpu.memory_space<hbm>>) target_semaphore(%arg28 : memref<!tpu.dma_semaphore, #tpu.memory_space<semaphore_mem>>)
    %add3A_341 = arith.constant 1 : i32
    %add3A_342 = arith.addi %mul3A_2, %add3A_341 : i32
    %dma_wait3A_343 = arith.constant 0 : i32
    %dma_wait3A_344 = arith.constant 0 : i32
    %dma_wait3A_345 = tpu.memref_slice %arg4[%add3A_342, %dma_wait3A_343, %dma_wait3A_344] : memref<4096x200x64xf32, #tpu.memory_space<hbm>> -> memref<1x200x64xf32, #tpu.memory_space<hbm>>
    %dma_wait3A_346 = tpu.memref_squeeze %dma_wait3A_345 : memref<1x200x64xf32, #tpu.memory_space<hbm>> -> memref<200x64xf32, #tpu.memory_space<hbm>>
    %dma_wait3A_347 = arith.constant 0 : i32
    %dma_wait3A_348 = arith.constant 0 : i32
    %dma_wait3A_349 = tpu.memref_slice %arg4[%add3A_342, %dma_wait3A_347, %dma_wait3A_348] : memref<4096x200x64xf32, #tpu.memory_space<hbm>> -> memref<1x200x64xf32, #tpu.memory_space<hbm>>
    %dma_wait3A_350 = tpu.memref_squeeze %dma_wait3A_349 : memref<1x200x64xf32, #tpu.memory_space<hbm>> -> memref<200x64xf32, #tpu.memory_space<hbm>>
    tpu.wait_dma2 semaphore(%arg26 : memref<!tpu.dma_semaphore, #tpu.memory_space<semaphore_mem>>) src(%arg14 : memref<200x64xf32, #tpu.memory_space<vmem>>) dst(%dma_wait3A_350 : memref<200x64xf32, #tpu.memory_space<hbm>>)
    %add3A_351 = arith.constant 5 : i32
    %add3A_352 = arith.addi %mul3A_2, %add3A_351 : i32
    %dma_wait3A_353 = arith.constant 0 : i32
    %dma_wait3A_354 = tpu.memref_slice %arg2[%add3A_352, %dma_wait3A_353] : memref<4096x200xi32, #tpu.memory_space<hbm>> -> memref<1x128xi32, #tpu.memory_space<hbm>>
    %dma_wait3A_355 = tpu.memref_squeeze %dma_wait3A_354 : memref<1x128xi32, #tpu.memory_space<hbm>> -> memref<128xi32, #tpu.memory_space<hbm>>
    %dma_wait3A_356 = arith.constant 0 : i32
    %dma_wait3A_357 = tpu.memref_slice %arg2[%add3A_352, %dma_wait3A_356] : memref<4096x200xi32, #tpu.memory_space<hbm>> -> memref<1x128xi32, #tpu.memory_space<hbm>>
    %dma_wait3A_358 = tpu.memref_squeeze %dma_wait3A_357 : memref<1x128xi32, #tpu.memory_space<hbm>> -> memref<128xi32, #tpu.memory_space<hbm>>
    tpu.wait_dma2 semaphore(%arg18 : memref<!tpu.dma_semaphore, #tpu.memory_space<semaphore_mem>>) src(%dma_wait3A_358 : memref<128xi32, #tpu.memory_space<hbm>>) dst(%arg6 : memref<128xi32, #tpu.memory_space<vmem>>)
    %dma_wait3A_359 = arith.constant 128 : i32
    %dma_wait3A_360 = tpu.memref_slice %arg2[%add3A_352, %dma_wait3A_359] : memref<4096x200xi32, #tpu.memory_space<hbm>> -> memref<1x72xi32, #tpu.memory_space<hbm>>
    %dma_wait3A_361 = tpu.memref_squeeze %dma_wait3A_360 : memref<1x72xi32, #tpu.memory_space<hbm>> -> memref<72xi32, #tpu.memory_space<hbm>>
    %dma_wait3A_362 = arith.constant 128 : i32
    %dma_wait3A_363 = tpu.memref_slice %arg2[%add3A_352, %dma_wait3A_362] : memref<4096x200xi32, #tpu.memory_space<hbm>> -> memref<1x72xi32, #tpu.memory_space<hbm>>
    %dma_wait3A_364 = tpu.memref_squeeze %dma_wait3A_363 : memref<1x72xi32, #tpu.memory_space<hbm>> -> memref<72xi32, #tpu.memory_space<hbm>>
    tpu.wait_dma2 semaphore(%arg18 : memref<!tpu.dma_semaphore, #tpu.memory_space<semaphore_mem>>) src(%dma_wait3A_364 : memref<72xi32, #tpu.memory_space<hbm>>) dst(%arg10 : memref<72xi32, #tpu.memory_space<vmem>>)
    %dma_start3A_365 = arith.constant 0 : i32
    %dma_start3A_366 = arith.constant 0 : i32
    %dma_start3A_367 = tpu.memref_slice %arg14[%dma_start3A_365, %dma_start3A_366] : memref<200x64xf32, #tpu.memory_space<vmem>> -> memref<128x64xf32, #tpu.memory_space<vmem>>
    %dma_start3A_368 = arith.constant 0 : i32
    %dma_start3A_369 = arith.constant 0 : i32
    %dma_start3A_370 = tpu.memref_slice %arg3[%dma_start3A_368, %dma_start3A_369] : memref<1000000x64xf32, #tpu.memory_space<hbm>> -> memref<1000000x64xf32, #tpu.memory_space<hbm>>
    tpu.enqueue_indirect_dma source(%dma_start3A_370 : memref<1000000x64xf32, #tpu.memory_space<hbm>>) target(%dma_start3A_367 : memref<128x64xf32, #tpu.memory_space<vmem>>) offsets(%arg6 : memref<128xi32, #tpu.memory_space<vmem>>) semaphore(%arg22 : memref<!tpu.dma_semaphore, #tpu.memory_space<semaphore_mem>>)
    %dma_start3A_371 = arith.constant 128 : i32
    %dma_start3A_372 = arith.constant 0 : i32
    %dma_start3A_373 = tpu.memref_slice %arg14[%dma_start3A_371, %dma_start3A_372] : memref<200x64xf32, #tpu.memory_space<vmem>> -> memref<72x64xf32, #tpu.memory_space<vmem>>
    %dma_start3A_374 = arith.constant 0 : i32
    %dma_start3A_375 = arith.constant 0 : i32
    %dma_start3A_376 = tpu.memref_slice %arg3[%dma_start3A_374, %dma_start3A_375] : memref<1000000x64xf32, #tpu.memory_space<hbm>> -> memref<1000000x64xf32, #tpu.memory_space<hbm>>
    tpu.enqueue_indirect_dma source(%dma_start3A_376 : memref<1000000x64xf32, #tpu.memory_space<hbm>>) target(%dma_start3A_373 : memref<72x64xf32, #tpu.memory_space<vmem>>) offsets(%arg10 : memref<72xi32, #tpu.memory_space<vmem>>) semaphore(%arg22 : memref<!tpu.dma_semaphore, #tpu.memory_space<semaphore_mem>>)
    %scan3A = arith.constant 0 : i32
    %scan3A_377 = arith.constant 1 : i32
    %scan3A_378 = arith.constant 31 : i32
    %scan3A_379 = arith.addi %scan3A_377, %scan3A_378 : i32
    %scan3A_380 = arith.constant 1 : i32
    scf.for %scan3A_422 = %scan3A_377 to %scan3A_379 step %scan3A_380  : i32 {
      %mul3A_423 = arith.constant 4 : i32
      %mul3A_424 = arith.muli %scan3A_422, %mul3A_423 : i32
      %add3A_425 = arith.constant 0 : i32
      %add3A_426 = arith.addi %mul3A_424, %add3A_425 : i32
      %dma_wait3A_427 = arith.constant 0 : i32
      %dma_wait3A_428 = arith.constant 0 : i32
      %dma_wait3A_429 = tpu.memref_slice %arg13[%dma_wait3A_427, %dma_wait3A_428] : memref<200x64xf32, #tpu.memory_space<vmem>> -> memref<128x64xf32, #tpu.memory_space<vmem>>
      %dma_wait3A_430 = arith.constant 0 : i32
      %dma_wait3A_431 = arith.constant 0 : i32
      %dma_wait3A_432 = tpu.memref_slice %arg3[%dma_wait3A_430, %dma_wait3A_431] : memref<1000000x64xf32, #tpu.memory_space<hbm>> -> memref<1000000x64xf32, #tpu.memory_space<hbm>>
      tpu.wait_indirect_dma semaphore(%arg21 : memref<!tpu.dma_semaphore, #tpu.memory_space<semaphore_mem>>) src(%dma_wait3A_432 : memref<1000000x64xf32, #tpu.memory_space<hbm>>) dst(%dma_wait3A_429 : memref<128x64xf32, #tpu.memory_space<vmem>>)
      %dma_wait3A_433 = arith.constant 128 : i32
      %dma_wait3A_434 = arith.constant 0 : i32
      %dma_wait3A_435 = tpu.memref_slice %arg13[%dma_wait3A_433, %dma_wait3A_434] : memref<200x64xf32, #tpu.memory_space<vmem>> -> memref<72x64xf32, #tpu.memory_space<vmem>>
      %dma_wait3A_436 = arith.constant 0 : i32
      %dma_wait3A_437 = arith.constant 0 : i32
      %dma_wait3A_438 = tpu.memref_slice %arg3[%dma_wait3A_436, %dma_wait3A_437] : memref<1000000x64xf32, #tpu.memory_space<hbm>> -> memref<1000000x64xf32, #tpu.memory_space<hbm>>
      tpu.wait_indirect_dma semaphore(%arg21 : memref<!tpu.dma_semaphore, #tpu.memory_space<semaphore_mem>>) src(%dma_wait3A_438 : memref<1000000x64xf32, #tpu.memory_space<hbm>>) dst(%dma_wait3A_435 : memref<72x64xf32, #tpu.memory_space<vmem>>)
      %add3A_439 = arith.constant 4 : i32
      %add3A_440 = arith.addi %add3A_426, %add3A_439 : i32
      %lt3A = arith.constant 128 : i32
      %lt3A_441 = arith.cmpi slt, %add3A_440, %lt3A : i32
      %convert_element_type3A = arith.extui %lt3A_441 : i1 to i32
      %cond3A = arith.constant 0 : i32
      %cond3A_442 = arith.cmpi ne, %convert_element_type3A, %cond3A : i32
      scf.if %cond3A_442 {
        %add3A_576 = arith.constant 4 : i32
        %add3A_577 = arith.addi %add3A_426, %add3A_576 : i32
        %add3A_578 = arith.addi %mul3A_2, %add3A_577 : i32
        %dma_start3A_579 = arith.constant 0 : i32
        %dma_start3A_580 = tpu.memref_slice %arg2[%add3A_578, %dma_start3A_579] : memref<4096x200xi32, #tpu.memory_space<hbm>> -> memref<1x128xi32, #tpu.memory_space<hbm>>
        %dma_start3A_581 = tpu.memref_squeeze %dma_start3A_580 : memref<1x128xi32, #tpu.memory_space<hbm>> -> memref<128xi32, #tpu.memory_space<hbm>>
        %dma_start3A_582 = arith.constant 0 : i32
        %dma_start3A_583 = tpu.memref_slice %arg2[%add3A_578, %dma_start3A_582] : memref<4096x200xi32, #tpu.memory_space<hbm>> -> memref<1x128xi32, #tpu.memory_space<hbm>>
        %dma_start3A_584 = tpu.memref_squeeze %dma_start3A_583 : memref<1x128xi32, #tpu.memory_space<hbm>> -> memref<128xi32, #tpu.memory_space<hbm>>
        tpu.enqueue_dma source(%dma_start3A_584 : memref<128xi32, #tpu.memory_space<hbm>>) target(%arg5 : memref<128xi32, #tpu.memory_space<vmem>>) target_semaphore(%arg17 : memref<!tpu.dma_semaphore, #tpu.memory_space<semaphore_mem>>)
        %dma_start3A_585 = arith.constant 128 : i32
        %dma_start3A_586 = tpu.memref_slice %arg2[%add3A_578, %dma_start3A_585] : memref<4096x200xi32, #tpu.memory_space<hbm>> -> memref<1x72xi32, #tpu.memory_space<hbm>>
        %dma_start3A_587 = tpu.memref_squeeze %dma_start3A_586 : memref<1x72xi32, #tpu.memory_space<hbm>> -> memref<72xi32, #tpu.memory_space<hbm>>
        %dma_start3A_588 = arith.constant 128 : i32
        %dma_start3A_589 = tpu.memref_slice %arg2[%add3A_578, %dma_start3A_588] : memref<4096x200xi32, #tpu.memory_space<hbm>> -> memref<1x72xi32, #tpu.memory_space<hbm>>
        %dma_start3A_590 = tpu.memref_squeeze %dma_start3A_589 : memref<1x72xi32, #tpu.memory_space<hbm>> -> memref<72xi32, #tpu.memory_space<hbm>>
        tpu.enqueue_dma source(%dma_start3A_590 : memref<72xi32, #tpu.memory_space<hbm>>) target(%arg9 : memref<72xi32, #tpu.memory_space<vmem>>) target_semaphore(%arg17 : memref<!tpu.dma_semaphore, #tpu.memory_space<semaphore_mem>>)
      } else {
      }
      %add3A_443 = arith.addi %mul3A_2, %add3A_426 : i32
      %dma_start3A_444 = arith.constant 0 : i32
      %dma_start3A_445 = arith.constant 0 : i32
      %dma_start3A_446 = tpu.memref_slice %arg4[%add3A_443, %dma_start3A_444, %dma_start3A_445] : memref<4096x200x64xf32, #tpu.memory_space<hbm>> -> memref<1x200x64xf32, #tpu.memory_space<hbm>>
      %dma_start3A_447 = tpu.memref_squeeze %dma_start3A_446 : memref<1x200x64xf32, #tpu.memory_space<hbm>> -> memref<200x64xf32, #tpu.memory_space<hbm>>
      %dma_start3A_448 = arith.constant 0 : i32
      %dma_start3A_449 = arith.constant 0 : i32
      %dma_start3A_450 = tpu.memref_slice %arg4[%add3A_443, %dma_start3A_448, %dma_start3A_449] : memref<4096x200x64xf32, #tpu.memory_space<hbm>> -> memref<1x200x64xf32, #tpu.memory_space<hbm>>
      %dma_start3A_451 = tpu.memref_squeeze %dma_start3A_450 : memref<1x200x64xf32, #tpu.memory_space<hbm>> -> memref<200x64xf32, #tpu.memory_space<hbm>>
      tpu.enqueue_dma source(%arg13 : memref<200x64xf32, #tpu.memory_space<vmem>>) target(%dma_start3A_451 : memref<200x64xf32, #tpu.memory_space<hbm>>) target_semaphore(%arg25 : memref<!tpu.dma_semaphore, #tpu.memory_space<semaphore_mem>>)
      %add3A_452 = arith.constant 2 : i32
      %add3A_453 = arith.addi %add3A_426, %add3A_452 : i32
      %lt3A_454 = arith.constant 128 : i32
      %lt3A_455 = arith.cmpi slt, %add3A_453, %lt3A_454 : i32
      %convert_element_type3A_456 = arith.extui %lt3A_455 : i1 to i32
      %cond3A_457 = arith.constant 0 : i32
      %cond3A_458 = arith.cmpi ne, %convert_element_type3A_456, %cond3A_457 : i32
      scf.if %cond3A_458 {
        %sub3A = arith.constant 2 : i32
        %sub3A_576 = arith.subi %add3A_426, %sub3A : i32
        %add3A_577 = arith.addi %mul3A_2, %sub3A_576 : i32
        %dma_wait3A_578 = arith.constant 0 : i32
        %dma_wait3A_579 = arith.constant 0 : i32
        %dma_wait3A_580 = tpu.memref_slice %arg4[%add3A_577, %dma_wait3A_578, %dma_wait3A_579] : memref<4096x200x64xf32, #tpu.memory_space<hbm>> -> memref<1x200x64xf32, #tpu.memory_space<hbm>>
        %dma_wait3A_581 = tpu.memref_squeeze %dma_wait3A_580 : memref<1x200x64xf32, #tpu.memory_space<hbm>> -> memref<200x64xf32, #tpu.memory_space<hbm>>
        %dma_wait3A_582 = arith.constant 0 : i32
        %dma_wait3A_583 = arith.constant 0 : i32
        %dma_wait3A_584 = tpu.memref_slice %arg4[%add3A_577, %dma_wait3A_582, %dma_wait3A_583] : memref<4096x200x64xf32, #tpu.memory_space<hbm>> -> memref<1x200x64xf32, #tpu.memory_space<hbm>>
        %dma_wait3A_585 = tpu.memref_squeeze %dma_wait3A_584 : memref<1x200x64xf32, #tpu.memory_space<hbm>> -> memref<200x64xf32, #tpu.memory_space<hbm>>
        tpu.wait_dma2 semaphore(%arg27 : memref<!tpu.dma_semaphore, #tpu.memory_space<semaphore_mem>>) src(%arg15 : memref<200x64xf32, #tpu.memory_space<vmem>>) dst(%dma_wait3A_585 : memref<200x64xf32, #tpu.memory_space<hbm>>)
        %add3A_586 = arith.constant 2 : i32
        %add3A_587 = arith.addi %add3A_426, %add3A_586 : i32
        %add3A_588 = arith.addi %mul3A_2, %add3A_587 : i32
        %dma_wait3A_589 = arith.constant 0 : i32
        %dma_wait3A_590 = tpu.memref_slice %arg2[%add3A_588, %dma_wait3A_589] : memref<4096x200xi32, #tpu.memory_space<hbm>> -> memref<1x128xi32, #tpu.memory_space<hbm>>
        %dma_wait3A_591 = tpu.memref_squeeze %dma_wait3A_590 : memref<1x128xi32, #tpu.memory_space<hbm>> -> memref<128xi32, #tpu.memory_space<hbm>>
        %dma_wait3A_592 = arith.constant 0 : i32
        %dma_wait3A_593 = tpu.memref_slice %arg2[%add3A_588, %dma_wait3A_592] : memref<4096x200xi32, #tpu.memory_space<hbm>> -> memref<1x128xi32, #tpu.memory_space<hbm>>
        %dma_wait3A_594 = tpu.memref_squeeze %dma_wait3A_593 : memref<1x128xi32, #tpu.memory_space<hbm>> -> memref<128xi32, #tpu.memory_space<hbm>>
        tpu.wait_dma2 semaphore(%arg19 : memref<!tpu.dma_semaphore, #tpu.memory_space<semaphore_mem>>) src(%dma_wait3A_594 : memref<128xi32, #tpu.memory_space<hbm>>) dst(%arg7 : memref<128xi32, #tpu.memory_space<vmem>>)
        %dma_wait3A_595 = arith.constant 128 : i32
        %dma_wait3A_596 = tpu.memref_slice %arg2[%add3A_588, %dma_wait3A_595] : memref<4096x200xi32, #tpu.memory_space<hbm>> -> memref<1x72xi32, #tpu.memory_space<hbm>>
        %dma_wait3A_597 = tpu.memref_squeeze %dma_wait3A_596 : memref<1x72xi32, #tpu.memory_space<hbm>> -> memref<72xi32, #tpu.memory_space<hbm>>
        %dma_wait3A_598 = arith.constant 128 : i32
        %dma_wait3A_599 = tpu.memref_slice %arg2[%add3A_588, %dma_wait3A_598] : memref<4096x200xi32, #tpu.memory_space<hbm>> -> memref<1x72xi32, #tpu.memory_space<hbm>>
        %dma_wait3A_600 = tpu.memref_squeeze %dma_wait3A_599 : memref<1x72xi32, #tpu.memory_space<hbm>> -> memref<72xi32, #tpu.memory_space<hbm>>
        tpu.wait_dma2 semaphore(%arg19 : memref<!tpu.dma_semaphore, #tpu.memory_space<semaphore_mem>>) src(%dma_wait3A_600 : memref<72xi32, #tpu.memory_space<hbm>>) dst(%arg11 : memref<72xi32, #tpu.memory_space<vmem>>)
        %dma_start3A_601 = arith.constant 0 : i32
        %dma_start3A_602 = arith.constant 0 : i32
        %dma_start3A_603 = tpu.memref_slice %arg15[%dma_start3A_601, %dma_start3A_602] : memref<200x64xf32, #tpu.memory_space<vmem>> -> memref<128x64xf32, #tpu.memory_space<vmem>>
        %dma_start3A_604 = arith.constant 0 : i32
        %dma_start3A_605 = arith.constant 0 : i32
        %dma_start3A_606 = tpu.memref_slice %arg3[%dma_start3A_604, %dma_start3A_605] : memref<1000000x64xf32, #tpu.memory_space<hbm>> -> memref<1000000x64xf32, #tpu.memory_space<hbm>>
        tpu.enqueue_indirect_dma source(%dma_start3A_606 : memref<1000000x64xf32, #tpu.memory_space<hbm>>) target(%dma_start3A_603 : memref<128x64xf32, #tpu.memory_space<vmem>>) offsets(%arg7 : memref<128xi32, #tpu.memory_space<vmem>>) semaphore(%arg23 : memref<!tpu.dma_semaphore, #tpu.memory_space<semaphore_mem>>)
        %dma_start3A_607 = arith.constant 128 : i32
        %dma_start3A_608 = arith.constant 0 : i32
        %dma_start3A_609 = tpu.memref_slice %arg15[%dma_start3A_607, %dma_start3A_608] : memref<200x64xf32, #tpu.memory_space<vmem>> -> memref<72x64xf32, #tpu.memory_space<vmem>>
        %dma_start3A_610 = arith.constant 0 : i32
        %dma_start3A_611 = arith.constant 0 : i32
        %dma_start3A_612 = tpu.memref_slice %arg3[%dma_start3A_610, %dma_start3A_611] : memref<1000000x64xf32, #tpu.memory_space<hbm>> -> memref<1000000x64xf32, #tpu.memory_space<hbm>>
        tpu.enqueue_indirect_dma source(%dma_start3A_612 : memref<1000000x64xf32, #tpu.memory_space<hbm>>) target(%dma_start3A_609 : memref<72x64xf32, #tpu.memory_space<vmem>>) offsets(%arg11 : memref<72xi32, #tpu.memory_space<vmem>>) semaphore(%arg23 : memref<!tpu.dma_semaphore, #tpu.memory_space<semaphore_mem>>)
      } else {
      }
      %mul3A_459 = arith.constant 4 : i32
      %mul3A_460 = arith.muli %scan3A_422, %mul3A_459 : i32
      %add3A_461 = arith.constant 1 : i32
      %add3A_462 = arith.addi %mul3A_460, %add3A_461 : i32
      %dma_wait3A_463 = arith.constant 0 : i32
      %dma_wait3A_464 = arith.constant 0 : i32
      %dma_wait3A_465 = tpu.memref_slice %arg14[%dma_wait3A_463, %dma_wait3A_464] : memref<200x64xf32, #tpu.memory_space<vmem>> -> memref<128x64xf32, #tpu.memory_space<vmem>>
      %dma_wait3A_466 = arith.constant 0 : i32
      %dma_wait3A_467 = arith.constant 0 : i32
      %dma_wait3A_468 = tpu.memref_slice %arg3[%dma_wait3A_466, %dma_wait3A_467] : memref<1000000x64xf32, #tpu.memory_space<hbm>> -> memref<1000000x64xf32, #tpu.memory_space<hbm>>
      tpu.wait_indirect_dma semaphore(%arg22 : memref<!tpu.dma_semaphore, #tpu.memory_space<semaphore_mem>>) src(%dma_wait3A_468 : memref<1000000x64xf32, #tpu.memory_space<hbm>>) dst(%dma_wait3A_465 : memref<128x64xf32, #tpu.memory_space<vmem>>)
      %dma_wait3A_469 = arith.constant 128 : i32
      %dma_wait3A_470 = arith.constant 0 : i32
      %dma_wait3A_471 = tpu.memref_slice %arg14[%dma_wait3A_469, %dma_wait3A_470] : memref<200x64xf32, #tpu.memory_space<vmem>> -> memref<72x64xf32, #tpu.memory_space<vmem>>
      %dma_wait3A_472 = arith.constant 0 : i32
      %dma_wait3A_473 = arith.constant 0 : i32
      %dma_wait3A_474 = tpu.memref_slice %arg3[%dma_wait3A_472, %dma_wait3A_473] : memref<1000000x64xf32, #tpu.memory_space<hbm>> -> memref<1000000x64xf32, #tpu.memory_space<hbm>>
      tpu.wait_indirect_dma semaphore(%arg22 : memref<!tpu.dma_semaphore, #tpu.memory_space<semaphore_mem>>) src(%dma_wait3A_474 : memref<1000000x64xf32, #tpu.memory_space<hbm>>) dst(%dma_wait3A_471 : memref<72x64xf32, #tpu.memory_space<vmem>>)
      %add3A_475 = arith.constant 4 : i32
      %add3A_476 = arith.addi %add3A_462, %add3A_475 : i32
      %lt3A_477 = arith.constant 128 : i32
      %lt3A_478 = arith.cmpi slt, %add3A_476, %lt3A_477 : i32
      %convert_element_type3A_479 = arith.extui %lt3A_478 : i1 to i32
      %cond3A_480 = arith.constant 0 : i32
      %cond3A_481 = arith.cmpi ne, %convert_element_type3A_479, %cond3A_480 : i32
      scf.if %cond3A_481 {
        %add3A_576 = arith.constant 4 : i32
        %add3A_577 = arith.addi %add3A_462, %add3A_576 : i32
        %add3A_578 = arith.addi %mul3A_2, %add3A_577 : i32
        %dma_start3A_579 = arith.constant 0 : i32
        %dma_start3A_580 = tpu.memref_slice %arg2[%add3A_578, %dma_start3A_579] : memref<4096x200xi32, #tpu.memory_space<hbm>> -> memref<1x128xi32, #tpu.memory_space<hbm>>
        %dma_start3A_581 = tpu.memref_squeeze %dma_start3A_580 : memref<1x128xi32, #tpu.memory_space<hbm>> -> memref<128xi32, #tpu.memory_space<hbm>>
        %dma_start3A_582 = arith.constant 0 : i32
        %dma_start3A_583 = tpu.memref_slice %arg2[%add3A_578, %dma_start3A_582] : memref<4096x200xi32, #tpu.memory_space<hbm>> -> memref<1x128xi32, #tpu.memory_space<hbm>>
        %dma_start3A_584 = tpu.memref_squeeze %dma_start3A_583 : memref<1x128xi32, #tpu.memory_space<hbm>> -> memref<128xi32, #tpu.memory_space<hbm>>
        tpu.enqueue_dma source(%dma_start3A_584 : memref<128xi32, #tpu.memory_space<hbm>>) target(%arg6 : memref<128xi32, #tpu.memory_space<vmem>>) target_semaphore(%arg18 : memref<!tpu.dma_semaphore, #tpu.memory_space<semaphore_mem>>)
        %dma_start3A_585 = arith.constant 128 : i32
        %dma_start3A_586 = tpu.memref_slice %arg2[%add3A_578, %dma_start3A_585] : memref<4096x200xi32, #tpu.memory_space<hbm>> -> memref<1x72xi32, #tpu.memory_space<hbm>>
        %dma_start3A_587 = tpu.memref_squeeze %dma_start3A_586 : memref<1x72xi32, #tpu.memory_space<hbm>> -> memref<72xi32, #tpu.memory_space<hbm>>
        %dma_start3A_588 = arith.constant 128 : i32
        %dma_start3A_589 = tpu.memref_slice %arg2[%add3A_578, %dma_start3A_588] : memref<4096x200xi32, #tpu.memory_space<hbm>> -> memref<1x72xi32, #tpu.memory_space<hbm>>
        %dma_start3A_590 = tpu.memref_squeeze %dma_start3A_589 : memref<1x72xi32, #tpu.memory_space<hbm>> -> memref<72xi32, #tpu.memory_space<hbm>>
        tpu.enqueue_dma source(%dma_start3A_590 : memref<72xi32, #tpu.memory_space<hbm>>) target(%arg10 : memref<72xi32, #tpu.memory_space<vmem>>) target_semaphore(%arg18 : memref<!tpu.dma_semaphore, #tpu.memory_space<semaphore_mem>>)
      } else {
      }
      %add3A_482 = arith.addi %mul3A_2, %add3A_462 : i32
      %dma_start3A_483 = arith.constant 0 : i32
      %dma_start3A_484 = arith.constant 0 : i32
      %dma_start3A_485 = tpu.memref_slice %arg4[%add3A_482, %dma_start3A_483, %dma_start3A_484] : memref<4096x200x64xf32, #tpu.memory_space<hbm>> -> memref<1x200x64xf32, #tpu.memory_space<hbm>>
      %dma_start3A_486 = tpu.memref_squeeze %dma_start3A_485 : memref<1x200x64xf32, #tpu.memory_space<hbm>> -> memref<200x64xf32, #tpu.memory_space<hbm>>
      %dma_start3A_487 = arith.constant 0 : i32
      %dma_start3A_488 = arith.constant 0 : i32
      %dma_start3A_489 = tpu.memref_slice %arg4[%add3A_482, %dma_start3A_487, %dma_start3A_488] : memref<4096x200x64xf32, #tpu.memory_space<hbm>> -> memref<1x200x64xf32, #tpu.memory_space<hbm>>
      %dma_start3A_490 = tpu.memref_squeeze %dma_start3A_489 : memref<1x200x64xf32, #tpu.memory_space<hbm>> -> memref<200x64xf32, #tpu.memory_space<hbm>>
      tpu.enqueue_dma source(%arg14 : memref<200x64xf32, #tpu.memory_space<vmem>>) target(%dma_start3A_490 : memref<200x64xf32, #tpu.memory_space<hbm>>) target_semaphore(%arg26 : memref<!tpu.dma_semaphore, #tpu.memory_space<semaphore_mem>>)
      %add3A_491 = arith.constant 2 : i32
      %add3A_492 = arith.addi %add3A_462, %add3A_491 : i32
      %lt3A_493 = arith.constant 128 : i32
      %lt3A_494 = arith.cmpi slt, %add3A_492, %lt3A_493 : i32
      %convert_element_type3A_495 = arith.extui %lt3A_494 : i1 to i32
      %cond3A_496 = arith.constant 0 : i32
      %cond3A_497 = arith.cmpi ne, %convert_element_type3A_495, %cond3A_496 : i32
      scf.if %cond3A_497 {
        %sub3A = arith.constant 2 : i32
        %sub3A_576 = arith.subi %add3A_462, %sub3A : i32
        %add3A_577 = arith.addi %mul3A_2, %sub3A_576 : i32
        %dma_wait3A_578 = arith.constant 0 : i32
        %dma_wait3A_579 = arith.constant 0 : i32
        %dma_wait3A_580 = tpu.memref_slice %arg4[%add3A_577, %dma_wait3A_578, %dma_wait3A_579] : memref<4096x200x64xf32, #tpu.memory_space<hbm>> -> memref<1x200x64xf32, #tpu.memory_space<hbm>>
        %dma_wait3A_581 = tpu.memref_squeeze %dma_wait3A_580 : memref<1x200x64xf32, #tpu.memory_space<hbm>> -> memref<200x64xf32, #tpu.memory_space<hbm>>
        %dma_wait3A_582 = arith.constant 0 : i32
        %dma_wait3A_583 = arith.constant 0 : i32
        %dma_wait3A_584 = tpu.memref_slice %arg4[%add3A_577, %dma_wait3A_582, %dma_wait3A_583] : memref<4096x200x64xf32, #tpu.memory_space<hbm>> -> memref<1x200x64xf32, #tpu.memory_space<hbm>>
        %dma_wait3A_585 = tpu.memref_squeeze %dma_wait3A_584 : memref<1x200x64xf32, #tpu.memory_space<hbm>> -> memref<200x64xf32, #tpu.memory_space<hbm>>
        tpu.wait_dma2 semaphore(%arg28 : memref<!tpu.dma_semaphore, #tpu.memory_space<semaphore_mem>>) src(%arg16 : memref<200x64xf32, #tpu.memory_space<vmem>>) dst(%dma_wait3A_585 : memref<200x64xf32, #tpu.memory_space<hbm>>)
        %add3A_586 = arith.constant 2 : i32
        %add3A_587 = arith.addi %add3A_462, %add3A_586 : i32
        %add3A_588 = arith.addi %mul3A_2, %add3A_587 : i32
        %dma_wait3A_589 = arith.constant 0 : i32
        %dma_wait3A_590 = tpu.memref_slice %arg2[%add3A_588, %dma_wait3A_589] : memref<4096x200xi32, #tpu.memory_space<hbm>> -> memref<1x128xi32, #tpu.memory_space<hbm>>
        %dma_wait3A_591 = tpu.memref_squeeze %dma_wait3A_590 : memref<1x128xi32, #tpu.memory_space<hbm>> -> memref<128xi32, #tpu.memory_space<hbm>>
        %dma_wait3A_592 = arith.constant 0 : i32
        %dma_wait3A_593 = tpu.memref_slice %arg2[%add3A_588, %dma_wait3A_592] : memref<4096x200xi32, #tpu.memory_space<hbm>> -> memref<1x128xi32, #tpu.memory_space<hbm>>
        %dma_wait3A_594 = tpu.memref_squeeze %dma_wait3A_593 : memref<1x128xi32, #tpu.memory_space<hbm>> -> memref<128xi32, #tpu.memory_space<hbm>>
        tpu.wait_dma2 semaphore(%arg20 : memref<!tpu.dma_semaphore, #tpu.memory_space<semaphore_mem>>) src(%dma_wait3A_594 : memref<128xi32, #tpu.memory_space<hbm>>) dst(%arg8 : memref<128xi32, #tpu.memory_space<vmem>>)
        %dma_wait3A_595 = arith.constant 128 : i32
        %dma_wait3A_596 = tpu.memref_slice %arg2[%add3A_588, %dma_wait3A_595] : memref<4096x200xi32, #tpu.memory_space<hbm>> -> memref<1x72xi32, #tpu.memory_space<hbm>>
        %dma_wait3A_597 = tpu.memref_squeeze %dma_wait3A_596 : memref<1x72xi32, #tpu.memory_space<hbm>> -> memref<72xi32, #tpu.memory_space<hbm>>
        %dma_wait3A_598 = arith.constant 128 : i32
        %dma_wait3A_599 = tpu.memref_slice %arg2[%add3A_588, %dma_wait3A_598] : memref<4096x200xi32, #tpu.memory_space<hbm>> -> memref<1x72xi32, #tpu.memory_space<hbm>>
        %dma_wait3A_600 = tpu.memref_squeeze %dma_wait3A_599 : memref<1x72xi32, #tpu.memory_space<hbm>> -> memref<72xi32, #tpu.memory_space<hbm>>
        tpu.wait_dma2 semaphore(%arg20 : memref<!tpu.dma_semaphore, #tpu.memory_space<semaphore_mem>>) src(%dma_wait3A_600 : memref<72xi32, #tpu.memory_space<hbm>>) dst(%arg12 : memref<72xi32, #tpu.memory_space<vmem>>)
        %dma_start3A_601 = arith.constant 0 : i32
        %dma_start3A_602 = arith.constant 0 : i32
        %dma_start3A_603 = tpu.memref_slice %arg16[%dma_start3A_601, %dma_start3A_602] : memref<200x64xf32, #tpu.memory_space<vmem>> -> memref<128x64xf32, #tpu.memory_space<vmem>>
        %dma_start3A_604 = arith.constant 0 : i32
        %dma_start3A_605 = arith.constant 0 : i32
        %dma_start3A_606 = tpu.memref_slice %arg3[%dma_start3A_604, %dma_start3A_605] : memref<1000000x64xf32, #tpu.memory_space<hbm>> -> memref<1000000x64xf32, #tpu.memory_space<hbm>>
        tpu.enqueue_indirect_dma source(%dma_start3A_606 : memref<1000000x64xf32, #tpu.memory_space<hbm>>) target(%dma_start3A_603 : memref<128x64xf32, #tpu.memory_space<vmem>>) offsets(%arg8 : memref<128xi32, #tpu.memory_space<vmem>>) semaphore(%arg24 : memref<!tpu.dma_semaphore, #tpu.memory_space<semaphore_mem>>)
        %dma_start3A_607 = arith.constant 128 : i32
        %dma_start3A_608 = arith.constant 0 : i32
        %dma_start3A_609 = tpu.memref_slice %arg16[%dma_start3A_607, %dma_start3A_608] : memref<200x64xf32, #tpu.memory_space<vmem>> -> memref<72x64xf32, #tpu.memory_space<vmem>>
        %dma_start3A_610 = arith.constant 0 : i32
        %dma_start3A_611 = arith.constant 0 : i32
        %dma_start3A_612 = tpu.memref_slice %arg3[%dma_start3A_610, %dma_start3A_611] : memref<1000000x64xf32, #tpu.memory_space<hbm>> -> memref<1000000x64xf32, #tpu.memory_space<hbm>>
        tpu.enqueue_indirect_dma source(%dma_start3A_612 : memref<1000000x64xf32, #tpu.memory_space<hbm>>) target(%dma_start3A_609 : memref<72x64xf32, #tpu.memory_space<vmem>>) offsets(%arg12 : memref<72xi32, #tpu.memory_space<vmem>>) semaphore(%arg24 : memref<!tpu.dma_semaphore, #tpu.memory_space<semaphore_mem>>)
      } else {
      }
      %mul3A_498 = arith.constant 4 : i32
      %mul3A_499 = arith.muli %scan3A_422, %mul3A_498 : i32
      %add3A_500 = arith.constant 2 : i32
      %add3A_501 = arith.addi %mul3A_499, %add3A_500 : i32
      %dma_wait3A_502 = arith.constant 0 : i32
      %dma_wait3A_503 = arith.constant 0 : i32
      %dma_wait3A_504 = tpu.memref_slice %arg15[%dma_wait3A_502, %dma_wait3A_503] : memref<200x64xf32, #tpu.memory_space<vmem>> -> memref<128x64xf32, #tpu.memory_space<vmem>>
      %dma_wait3A_505 = arith.constant 0 : i32
      %dma_wait3A_506 = arith.constant 0 : i32
      %dma_wait3A_507 = tpu.memref_slice %arg3[%dma_wait3A_505, %dma_wait3A_506] : memref<1000000x64xf32, #tpu.memory_space<hbm>> -> memref<1000000x64xf32, #tpu.memory_space<hbm>>
      tpu.wait_indirect_dma semaphore(%arg23 : memref<!tpu.dma_semaphore, #tpu.memory_space<semaphore_mem>>) src(%dma_wait3A_507 : memref<1000000x64xf32, #tpu.memory_space<hbm>>) dst(%dma_wait3A_504 : memref<128x64xf32, #tpu.memory_space<vmem>>)
      %dma_wait3A_508 = arith.constant 128 : i32
      %dma_wait3A_509 = arith.constant 0 : i32
      %dma_wait3A_510 = tpu.memref_slice %arg15[%dma_wait3A_508, %dma_wait3A_509] : memref<200x64xf32, #tpu.memory_space<vmem>> -> memref<72x64xf32, #tpu.memory_space<vmem>>
      %dma_wait3A_511 = arith.constant 0 : i32
      %dma_wait3A_512 = arith.constant 0 : i32
      %dma_wait3A_513 = tpu.memref_slice %arg3[%dma_wait3A_511, %dma_wait3A_512] : memref<1000000x64xf32, #tpu.memory_space<hbm>> -> memref<1000000x64xf32, #tpu.memory_space<hbm>>
      tpu.wait_indirect_dma semaphore(%arg23 : memref<!tpu.dma_semaphore, #tpu.memory_space<semaphore_mem>>) src(%dma_wait3A_513 : memref<1000000x64xf32, #tpu.memory_space<hbm>>) dst(%dma_wait3A_510 : memref<72x64xf32, #tpu.memory_space<vmem>>)
      %add3A_514 = arith.constant 4 : i32
      %add3A_515 = arith.addi %add3A_501, %add3A_514 : i32
      %lt3A_516 = arith.constant 128 : i32
      %lt3A_517 = arith.cmpi slt, %add3A_515, %lt3A_516 : i32
      %convert_element_type3A_518 = arith.extui %lt3A_517 : i1 to i32
      %cond3A_519 = arith.constant 0 : i32
      %cond3A_520 = arith.cmpi ne, %convert_element_type3A_518, %cond3A_519 : i32
      scf.if %cond3A_520 {
        %add3A_576 = arith.constant 4 : i32
        %add3A_577 = arith.addi %add3A_501, %add3A_576 : i32
        %add3A_578 = arith.addi %mul3A_2, %add3A_577 : i32
        %dma_start3A_579 = arith.constant 0 : i32
        %dma_start3A_580 = tpu.memref_slice %arg2[%add3A_578, %dma_start3A_579] : memref<4096x200xi32, #tpu.memory_space<hbm>> -> memref<1x128xi32, #tpu.memory_space<hbm>>
        %dma_start3A_581 = tpu.memref_squeeze %dma_start3A_580 : memref<1x128xi32, #tpu.memory_space<hbm>> -> memref<128xi32, #tpu.memory_space<hbm>>
        %dma_start3A_582 = arith.constant 0 : i32
        %dma_start3A_583 = tpu.memref_slice %arg2[%add3A_578, %dma_start3A_582] : memref<4096x200xi32, #tpu.memory_space<hbm>> -> memref<1x128xi32, #tpu.memory_space<hbm>>
        %dma_start3A_584 = tpu.memref_squeeze %dma_start3A_583 : memref<1x128xi32, #tpu.memory_space<hbm>> -> memref<128xi32, #tpu.memory_space<hbm>>
        tpu.enqueue_dma source(%dma_start3A_584 : memref<128xi32, #tpu.memory_space<hbm>>) target(%arg7 : memref<128xi32, #tpu.memory_space<vmem>>) target_semaphore(%arg19 : memref<!tpu.dma_semaphore, #tpu.memory_space<semaphore_mem>>)
        %dma_start3A_585 = arith.constant 128 : i32
        %dma_start3A_586 = tpu.memref_slice %arg2[%add3A_578, %dma_start3A_585] : memref<4096x200xi32, #tpu.memory_space<hbm>> -> memref<1x72xi32, #tpu.memory_space<hbm>>
        %dma_start3A_587 = tpu.memref_squeeze %dma_start3A_586 : memref<1x72xi32, #tpu.memory_space<hbm>> -> memref<72xi32, #tpu.memory_space<hbm>>
        %dma_start3A_588 = arith.constant 128 : i32
        %dma_start3A_589 = tpu.memref_slice %arg2[%add3A_578, %dma_start3A_588] : memref<4096x200xi32, #tpu.memory_space<hbm>> -> memref<1x72xi32, #tpu.memory_space<hbm>>
        %dma_start3A_590 = tpu.memref_squeeze %dma_start3A_589 : memref<1x72xi32, #tpu.memory_space<hbm>> -> memref<72xi32, #tpu.memory_space<hbm>>
        tpu.enqueue_dma source(%dma_start3A_590 : memref<72xi32, #tpu.memory_space<hbm>>) target(%arg11 : memref<72xi32, #tpu.memory_space<vmem>>) target_semaphore(%arg19 : memref<!tpu.dma_semaphore, #tpu.memory_space<semaphore_mem>>)
      } else {
      }
      %add3A_521 = arith.addi %mul3A_2, %add3A_501 : i32
      %dma_start3A_522 = arith.constant 0 : i32
      %dma_start3A_523 = arith.constant 0 : i32
      %dma_start3A_524 = tpu.memref_slice %arg4[%add3A_521, %dma_start3A_522, %dma_start3A_523] : memref<4096x200x64xf32, #tpu.memory_space<hbm>> -> memref<1x200x64xf32, #tpu.memory_space<hbm>>
      %dma_start3A_525 = tpu.memref_squeeze %dma_start3A_524 : memref<1x200x64xf32, #tpu.memory_space<hbm>> -> memref<200x64xf32, #tpu.memory_space<hbm>>
      %dma_start3A_526 = arith.constant 0 : i32
      %dma_start3A_527 = arith.constant 0 : i32
      %dma_start3A_528 = tpu.memref_slice %arg4[%add3A_521, %dma_start3A_526, %dma_start3A_527] : memref<4096x200x64xf32, #tpu.memory_space<hbm>> -> memref<1x200x64xf32, #tpu.memory_space<hbm>>
      %dma_start3A_529 = tpu.memref_squeeze %dma_start3A_528 : memref<1x200x64xf32, #tpu.memory_space<hbm>> -> memref<200x64xf32, #tpu.memory_space<hbm>>
      tpu.enqueue_dma source(%arg15 : memref<200x64xf32, #tpu.memory_space<vmem>>) target(%dma_start3A_529 : memref<200x64xf32, #tpu.memory_space<hbm>>) target_semaphore(%arg27 : memref<!tpu.dma_semaphore, #tpu.memory_space<semaphore_mem>>)
      %add3A_530 = arith.constant 2 : i32
      %add3A_531 = arith.addi %add3A_501, %add3A_530 : i32
      %lt3A_532 = arith.constant 128 : i32
      %lt3A_533 = arith.cmpi slt, %add3A_531, %lt3A_532 : i32
      %convert_element_type3A_534 = arith.extui %lt3A_533 : i1 to i32
      %cond3A_535 = arith.constant 0 : i32
      %cond3A_536 = arith.cmpi ne, %convert_element_type3A_534, %cond3A_535 : i32
      scf.if %cond3A_536 {
        %sub3A = arith.constant 2 : i32
        %sub3A_576 = arith.subi %add3A_501, %sub3A : i32
        %add3A_577 = arith.addi %mul3A_2, %sub3A_576 : i32
        %dma_wait3A_578 = arith.constant 0 : i32
        %dma_wait3A_579 = arith.constant 0 : i32
        %dma_wait3A_580 = tpu.memref_slice %arg4[%add3A_577, %dma_wait3A_578, %dma_wait3A_579] : memref<4096x200x64xf32, #tpu.memory_space<hbm>> -> memref<1x200x64xf32, #tpu.memory_space<hbm>>
        %dma_wait3A_581 = tpu.memref_squeeze %dma_wait3A_580 : memref<1x200x64xf32, #tpu.memory_space<hbm>> -> memref<200x64xf32, #tpu.memory_space<hbm>>
        %dma_wait3A_582 = arith.constant 0 : i32
        %dma_wait3A_583 = arith.constant 0 : i32
        %dma_wait3A_584 = tpu.memref_slice %arg4[%add3A_577, %dma_wait3A_582, %dma_wait3A_583] : memref<4096x200x64xf32, #tpu.memory_space<hbm>> -> memref<1x200x64xf32, #tpu.memory_space<hbm>>
        %dma_wait3A_585 = tpu.memref_squeeze %dma_wait3A_584 : memref<1x200x64xf32, #tpu.memory_space<hbm>> -> memref<200x64xf32, #tpu.memory_space<hbm>>
        tpu.wait_dma2 semaphore(%arg25 : memref<!tpu.dma_semaphore, #tpu.memory_space<semaphore_mem>>) src(%arg13 : memref<200x64xf32, #tpu.memory_space<vmem>>) dst(%dma_wait3A_585 : memref<200x64xf32, #tpu.memory_space<hbm>>)
        %add3A_586 = arith.constant 2 : i32
        %add3A_587 = arith.addi %add3A_501, %add3A_586 : i32
        %add3A_588 = arith.addi %mul3A_2, %add3A_587 : i32
        %dma_wait3A_589 = arith.constant 0 : i32
        %dma_wait3A_590 = tpu.memref_slice %arg2[%add3A_588, %dma_wait3A_589] : memref<4096x200xi32, #tpu.memory_space<hbm>> -> memref<1x128xi32, #tpu.memory_space<hbm>>
        %dma_wait3A_591 = tpu.memref_squeeze %dma_wait3A_590 : memref<1x128xi32, #tpu.memory_space<hbm>> -> memref<128xi32, #tpu.memory_space<hbm>>
        %dma_wait3A_592 = arith.constant 0 : i32
        %dma_wait3A_593 = tpu.memref_slice %arg2[%add3A_588, %dma_wait3A_592] : memref<4096x200xi32, #tpu.memory_space<hbm>> -> memref<1x128xi32, #tpu.memory_space<hbm>>
        %dma_wait3A_594 = tpu.memref_squeeze %dma_wait3A_593 : memref<1x128xi32, #tpu.memory_space<hbm>> -> memref<128xi32, #tpu.memory_space<hbm>>
        tpu.wait_dma2 semaphore(%arg17 : memref<!tpu.dma_semaphore, #tpu.memory_space<semaphore_mem>>) src(%dma_wait3A_594 : memref<128xi32, #tpu.memory_space<hbm>>) dst(%arg5 : memref<128xi32, #tpu.memory_space<vmem>>)
        %dma_wait3A_595 = arith.constant 128 : i32
        %dma_wait3A_596 = tpu.memref_slice %arg2[%add3A_588, %dma_wait3A_595] : memref<4096x200xi32, #tpu.memory_space<hbm>> -> memref<1x72xi32, #tpu.memory_space<hbm>>
        %dma_wait3A_597 = tpu.memref_squeeze %dma_wait3A_596 : memref<1x72xi32, #tpu.memory_space<hbm>> -> memref<72xi32, #tpu.memory_space<hbm>>
        %dma_wait3A_598 = arith.constant 128 : i32
        %dma_wait3A_599 = tpu.memref_slice %arg2[%add3A_588, %dma_wait3A_598] : memref<4096x200xi32, #tpu.memory_space<hbm>> -> memref<1x72xi32, #tpu.memory_space<hbm>>
        %dma_wait3A_600 = tpu.memref_squeeze %dma_wait3A_599 : memref<1x72xi32, #tpu.memory_space<hbm>> -> memref<72xi32, #tpu.memory_space<hbm>>
        tpu.wait_dma2 semaphore(%arg17 : memref<!tpu.dma_semaphore, #tpu.memory_space<semaphore_mem>>) src(%dma_wait3A_600 : memref<72xi32, #tpu.memory_space<hbm>>) dst(%arg9 : memref<72xi32, #tpu.memory_space<vmem>>)
        %dma_start3A_601 = arith.constant 0 : i32
        %dma_start3A_602 = arith.constant 0 : i32
        %dma_start3A_603 = tpu.memref_slice %arg13[%dma_start3A_601, %dma_start3A_602] : memref<200x64xf32, #tpu.memory_space<vmem>> -> memref<128x64xf32, #tpu.memory_space<vmem>>
        %dma_start3A_604 = arith.constant 0 : i32
        %dma_start3A_605 = arith.constant 0 : i32
        %dma_start3A_606 = tpu.memref_slice %arg3[%dma_start3A_604, %dma_start3A_605] : memref<1000000x64xf32, #tpu.memory_space<hbm>> -> memref<1000000x64xf32, #tpu.memory_space<hbm>>
        tpu.enqueue_indirect_dma source(%dma_start3A_606 : memref<1000000x64xf32, #tpu.memory_space<hbm>>) target(%dma_start3A_603 : memref<128x64xf32, #tpu.memory_space<vmem>>) offsets(%arg5 : memref<128xi32, #tpu.memory_space<vmem>>) semaphore(%arg21 : memref<!tpu.dma_semaphore, #tpu.memory_space<semaphore_mem>>)
        %dma_start3A_607 = arith.constant 128 : i32
        %dma_start3A_608 = arith.constant 0 : i32
        %dma_start3A_609 = tpu.memref_slice %arg13[%dma_start3A_607, %dma_start3A_608] : memref<200x64xf32, #tpu.memory_space<vmem>> -> memref<72x64xf32, #tpu.memory_space<vmem>>
        %dma_start3A_610 = arith.constant 0 : i32
        %dma_start3A_611 = arith.constant 0 : i32
        %dma_start3A_612 = tpu.memref_slice %arg3[%dma_start3A_610, %dma_start3A_611] : memref<1000000x64xf32, #tpu.memory_space<hbm>> -> memref<1000000x64xf32, #tpu.memory_space<hbm>>
        tpu.enqueue_indirect_dma source(%dma_start3A_612 : memref<1000000x64xf32, #tpu.memory_space<hbm>>) target(%dma_start3A_609 : memref<72x64xf32, #tpu.memory_space<vmem>>) offsets(%arg9 : memref<72xi32, #tpu.memory_space<vmem>>) semaphore(%arg21 : memref<!tpu.dma_semaphore, #tpu.memory_space<semaphore_mem>>)
      } else {
      }
      %mul3A_537 = arith.constant 4 : i32
      %mul3A_538 = arith.muli %scan3A_422, %mul3A_537 : i32
      %add3A_539 = arith.constant 3 : i32
      %add3A_540 = arith.addi %mul3A_538, %add3A_539 : i32
      %dma_wait3A_541 = arith.constant 0 : i32
      %dma_wait3A_542 = arith.constant 0 : i32
      %dma_wait3A_543 = tpu.memref_slice %arg16[%dma_wait3A_541, %dma_wait3A_542] : memref<200x64xf32, #tpu.memory_space<vmem>> -> memref<128x64xf32, #tpu.memory_space<vmem>>
      %dma_wait3A_544 = arith.constant 0 : i32
      %dma_wait3A_545 = arith.constant 0 : i32
      %dma_wait3A_546 = tpu.memref_slice %arg3[%dma_wait3A_544, %dma_wait3A_545] : memref<1000000x64xf32, #tpu.memory_space<hbm>> -> memref<1000000x64xf32, #tpu.memory_space<hbm>>
      tpu.wait_indirect_dma semaphore(%arg24 : memref<!tpu.dma_semaphore, #tpu.memory_space<semaphore_mem>>) src(%dma_wait3A_546 : memref<1000000x64xf32, #tpu.memory_space<hbm>>) dst(%dma_wait3A_543 : memref<128x64xf32, #tpu.memory_space<vmem>>)
      %dma_wait3A_547 = arith.constant 128 : i32
      %dma_wait3A_548 = arith.constant 0 : i32
      %dma_wait3A_549 = tpu.memref_slice %arg16[%dma_wait3A_547, %dma_wait3A_548] : memref<200x64xf32, #tpu.memory_space<vmem>> -> memref<72x64xf32, #tpu.memory_space<vmem>>
      %dma_wait3A_550 = arith.constant 0 : i32
      %dma_wait3A_551 = arith.constant 0 : i32
      %dma_wait3A_552 = tpu.memref_slice %arg3[%dma_wait3A_550, %dma_wait3A_551] : memref<1000000x64xf32, #tpu.memory_space<hbm>> -> memref<1000000x64xf32, #tpu.memory_space<hbm>>
      tpu.wait_indirect_dma semaphore(%arg24 : memref<!tpu.dma_semaphore, #tpu.memory_space<semaphore_mem>>) src(%dma_wait3A_552 : memref<1000000x64xf32, #tpu.memory_space<hbm>>) dst(%dma_wait3A_549 : memref<72x64xf32, #tpu.memory_space<vmem>>)
      %add3A_553 = arith.constant 4 : i32
      %add3A_554 = arith.addi %add3A_540, %add3A_553 : i32
      %lt3A_555 = arith.constant 128 : i32
      %lt3A_556 = arith.cmpi slt, %add3A_554, %lt3A_555 : i32
      %convert_element_type3A_557 = arith.extui %lt3A_556 : i1 to i32
      %cond3A_558 = arith.constant 0 : i32
      %cond3A_559 = arith.cmpi ne, %convert_element_type3A_557, %cond3A_558 : i32
      scf.if %cond3A_559 {
        %add3A_576 = arith.constant 4 : i32
        %add3A_577 = arith.addi %add3A_540, %add3A_576 : i32
        %add3A_578 = arith.addi %mul3A_2, %add3A_577 : i32
        %dma_start3A_579 = arith.constant 0 : i32
        %dma_start3A_580 = tpu.memref_slice %arg2[%add3A_578, %dma_start3A_579] : memref<4096x200xi32, #tpu.memory_space<hbm>> -> memref<1x128xi32, #tpu.memory_space<hbm>>
        %dma_start3A_581 = tpu.memref_squeeze %dma_start3A_580 : memref<1x128xi32, #tpu.memory_space<hbm>> -> memref<128xi32, #tpu.memory_space<hbm>>
        %dma_start3A_582 = arith.constant 0 : i32
        %dma_start3A_583 = tpu.memref_slice %arg2[%add3A_578, %dma_start3A_582] : memref<4096x200xi32, #tpu.memory_space<hbm>> -> memref<1x128xi32, #tpu.memory_space<hbm>>
        %dma_start3A_584 = tpu.memref_squeeze %dma_start3A_583 : memref<1x128xi32, #tpu.memory_space<hbm>> -> memref<128xi32, #tpu.memory_space<hbm>>
        tpu.enqueue_dma source(%dma_start3A_584 : memref<128xi32, #tpu.memory_space<hbm>>) target(%arg8 : memref<128xi32, #tpu.memory_space<vmem>>) target_semaphore(%arg20 : memref<!tpu.dma_semaphore, #tpu.memory_space<semaphore_mem>>)
        %dma_start3A_585 = arith.constant 128 : i32
        %dma_start3A_586 = tpu.memref_slice %arg2[%add3A_578, %dma_start3A_585] : memref<4096x200xi32, #tpu.memory_space<hbm>> -> memref<1x72xi32, #tpu.memory_space<hbm>>
        %dma_start3A_587 = tpu.memref_squeeze %dma_start3A_586 : memref<1x72xi32, #tpu.memory_space<hbm>> -> memref<72xi32, #tpu.memory_space<hbm>>
        %dma_start3A_588 = arith.constant 128 : i32
        %dma_start3A_589 = tpu.memref_slice %arg2[%add3A_578, %dma_start3A_588] : memref<4096x200xi32, #tpu.memory_space<hbm>> -> memref<1x72xi32, #tpu.memory_space<hbm>>
        %dma_start3A_590 = tpu.memref_squeeze %dma_start3A_589 : memref<1x72xi32, #tpu.memory_space<hbm>> -> memref<72xi32, #tpu.memory_space<hbm>>
        tpu.enqueue_dma source(%dma_start3A_590 : memref<72xi32, #tpu.memory_space<hbm>>) target(%arg12 : memref<72xi32, #tpu.memory_space<vmem>>) target_semaphore(%arg20 : memref<!tpu.dma_semaphore, #tpu.memory_space<semaphore_mem>>)
      } else {
      }
      %add3A_560 = arith.addi %mul3A_2, %add3A_540 : i32
      %dma_start3A_561 = arith.constant 0 : i32
      %dma_start3A_562 = arith.constant 0 : i32
      %dma_start3A_563 = tpu.memref_slice %arg4[%add3A_560, %dma_start3A_561, %dma_start3A_562] : memref<4096x200x64xf32, #tpu.memory_space<hbm>> -> memref<1x200x64xf32, #tpu.memory_space<hbm>>
      %dma_start3A_564 = tpu.memref_squeeze %dma_start3A_563 : memref<1x200x64xf32, #tpu.memory_space<hbm>> -> memref<200x64xf32, #tpu.memory_space<hbm>>
      %dma_start3A_565 = arith.constant 0 : i32
      %dma_start3A_566 = arith.constant 0 : i32
      %dma_start3A_567 = tpu.memref_slice %arg4[%add3A_560, %dma_start3A_565, %dma_start3A_566] : memref<4096x200x64xf32, #tpu.memory_space<hbm>> -> memref<1x200x64xf32, #tpu.memory_space<hbm>>
      %dma_start3A_568 = tpu.memref_squeeze %dma_start3A_567 : memref<1x200x64xf32, #tpu.memory_space<hbm>> -> memref<200x64xf32, #tpu.memory_space<hbm>>
      tpu.enqueue_dma source(%arg16 : memref<200x64xf32, #tpu.memory_space<vmem>>) target(%dma_start3A_568 : memref<200x64xf32, #tpu.memory_space<hbm>>) target_semaphore(%arg28 : memref<!tpu.dma_semaphore, #tpu.memory_space<semaphore_mem>>)
      %add3A_569 = arith.constant 2 : i32
      %add3A_570 = arith.addi %add3A_540, %add3A_569 : i32
      %lt3A_571 = arith.constant 128 : i32
      %lt3A_572 = arith.cmpi slt, %add3A_570, %lt3A_571 : i32
      %convert_element_type3A_573 = arith.extui %lt3A_572 : i1 to i32
      %cond3A_574 = arith.constant 0 : i32
      %cond3A_575 = arith.cmpi ne, %convert_element_type3A_573, %cond3A_574 : i32
      scf.if %cond3A_575 {
        %sub3A = arith.constant 2 : i32
        %sub3A_576 = arith.subi %add3A_540, %sub3A : i32
        %add3A_577 = arith.addi %mul3A_2, %sub3A_576 : i32
        %dma_wait3A_578 = arith.constant 0 : i32
        %dma_wait3A_579 = arith.constant 0 : i32
        %dma_wait3A_580 = tpu.memref_slice %arg4[%add3A_577, %dma_wait3A_578, %dma_wait3A_579] : memref<4096x200x64xf32, #tpu.memory_space<hbm>> -> memref<1x200x64xf32, #tpu.memory_space<hbm>>
        %dma_wait3A_581 = tpu.memref_squeeze %dma_wait3A_580 : memref<1x200x64xf32, #tpu.memory_space<hbm>> -> memref<200x64xf32, #tpu.memory_space<hbm>>
        %dma_wait3A_582 = arith.constant 0 : i32
        %dma_wait3A_583 = arith.constant 0 : i32
        %dma_wait3A_584 = tpu.memref_slice %arg4[%add3A_577, %dma_wait3A_582, %dma_wait3A_583] : memref<4096x200x64xf32, #tpu.memory_space<hbm>> -> memref<1x200x64xf32, #tpu.memory_space<hbm>>
        %dma_wait3A_585 = tpu.memref_squeeze %dma_wait3A_584 : memref<1x200x64xf32, #tpu.memory_space<hbm>> -> memref<200x64xf32, #tpu.memory_space<hbm>>
        tpu.wait_dma2 semaphore(%arg26 : memref<!tpu.dma_semaphore, #tpu.memory_space<semaphore_mem>>) src(%arg14 : memref<200x64xf32, #tpu.memory_space<vmem>>) dst(%dma_wait3A_585 : memref<200x64xf32, #tpu.memory_space<hbm>>)
        %add3A_586 = arith.constant 2 : i32
        %add3A_587 = arith.addi %add3A_540, %add3A_586 : i32
        %add3A_588 = arith.addi %mul3A_2, %add3A_587 : i32
        %dma_wait3A_589 = arith.constant 0 : i32
        %dma_wait3A_590 = tpu.memref_slice %arg2[%add3A_588, %dma_wait3A_589] : memref<4096x200xi32, #tpu.memory_space<hbm>> -> memref<1x128xi32, #tpu.memory_space<hbm>>
        %dma_wait3A_591 = tpu.memref_squeeze %dma_wait3A_590 : memref<1x128xi32, #tpu.memory_space<hbm>> -> memref<128xi32, #tpu.memory_space<hbm>>
        %dma_wait3A_592 = arith.constant 0 : i32
        %dma_wait3A_593 = tpu.memref_slice %arg2[%add3A_588, %dma_wait3A_592] : memref<4096x200xi32, #tpu.memory_space<hbm>> -> memref<1x128xi32, #tpu.memory_space<hbm>>
        %dma_wait3A_594 = tpu.memref_squeeze %dma_wait3A_593 : memref<1x128xi32, #tpu.memory_space<hbm>> -> memref<128xi32, #tpu.memory_space<hbm>>
        tpu.wait_dma2 semaphore(%arg18 : memref<!tpu.dma_semaphore, #tpu.memory_space<semaphore_mem>>) src(%dma_wait3A_594 : memref<128xi32, #tpu.memory_space<hbm>>) dst(%arg6 : memref<128xi32, #tpu.memory_space<vmem>>)
        %dma_wait3A_595 = arith.constant 128 : i32
        %dma_wait3A_596 = tpu.memref_slice %arg2[%add3A_588, %dma_wait3A_595] : memref<4096x200xi32, #tpu.memory_space<hbm>> -> memref<1x72xi32, #tpu.memory_space<hbm>>
        %dma_wait3A_597 = tpu.memref_squeeze %dma_wait3A_596 : memref<1x72xi32, #tpu.memory_space<hbm>> -> memref<72xi32, #tpu.memory_space<hbm>>
        %dma_wait3A_598 = arith.constant 128 : i32
        %dma_wait3A_599 = tpu.memref_slice %arg2[%add3A_588, %dma_wait3A_598] : memref<4096x200xi32, #tpu.memory_space<hbm>> -> memref<1x72xi32, #tpu.memory_space<hbm>>
        %dma_wait3A_600 = tpu.memref_squeeze %dma_wait3A_599 : memref<1x72xi32, #tpu.memory_space<hbm>> -> memref<72xi32, #tpu.memory_space<hbm>>
        tpu.wait_dma2 semaphore(%arg18 : memref<!tpu.dma_semaphore, #tpu.memory_space<semaphore_mem>>) src(%dma_wait3A_600 : memref<72xi32, #tpu.memory_space<hbm>>) dst(%arg10 : memref<72xi32, #tpu.memory_space<vmem>>)
        %dma_start3A_601 = arith.constant 0 : i32
        %dma_start3A_602 = arith.constant 0 : i32
        %dma_start3A_603 = tpu.memref_slice %arg14[%dma_start3A_601, %dma_start3A_602] : memref<200x64xf32, #tpu.memory_space<vmem>> -> memref<128x64xf32, #tpu.memory_space<vmem>>
        %dma_start3A_604 = arith.constant 0 : i32
        %dma_start3A_605 = arith.constant 0 : i32
        %dma_start3A_606 = tpu.memref_slice %arg3[%dma_start3A_604, %dma_start3A_605] : memref<1000000x64xf32, #tpu.memory_space<hbm>> -> memref<1000000x64xf32, #tpu.memory_space<hbm>>
        tpu.enqueue_indirect_dma source(%dma_start3A_606 : memref<1000000x64xf32, #tpu.memory_space<hbm>>) target(%dma_start3A_603 : memref<128x64xf32, #tpu.memory_space<vmem>>) offsets(%arg6 : memref<128xi32, #tpu.memory_space<vmem>>) semaphore(%arg22 : memref<!tpu.dma_semaphore, #tpu.memory_space<semaphore_mem>>)
        %dma_start3A_607 = arith.constant 128 : i32
        %dma_start3A_608 = arith.constant 0 : i32
        %dma_start3A_609 = tpu.memref_slice %arg14[%dma_start3A_607, %dma_start3A_608] : memref<200x64xf32, #tpu.memory_space<vmem>> -> memref<72x64xf32, #tpu.memory_space<vmem>>
        %dma_start3A_610 = arith.constant 0 : i32
        %dma_start3A_611 = arith.constant 0 : i32
        %dma_start3A_612 = tpu.memref_slice %arg3[%dma_start3A_610, %dma_start3A_611] : memref<1000000x64xf32, #tpu.memory_space<hbm>> -> memref<1000000x64xf32, #tpu.memory_space<hbm>>
        tpu.enqueue_indirect_dma source(%dma_start3A_612 : memref<1000000x64xf32, #tpu.memory_space<hbm>>) target(%dma_start3A_609 : memref<72x64xf32, #tpu.memory_space<vmem>>) offsets(%arg10 : memref<72xi32, #tpu.memory_space<vmem>>) semaphore(%arg22 : memref<!tpu.dma_semaphore, #tpu.memory_space<semaphore_mem>>)
      } else {
      }
    }
    %scan3A_381 = arith.constant 31 : i32
    %add3A_382 = arith.constant 124 : i32
    %add3A_383 = arith.addi %mul3A_2, %add3A_382 : i32
    %dma_wait3A_384 = arith.constant 0 : i32
    %dma_wait3A_385 = arith.constant 0 : i32
    %dma_wait3A_386 = tpu.memref_slice %arg4[%add3A_383, %dma_wait3A_384, %dma_wait3A_385] : memref<4096x200x64xf32, #tpu.memory_space<hbm>> -> memref<1x200x64xf32, #tpu.memory_space<hbm>>
    %dma_wait3A_387 = tpu.memref_squeeze %dma_wait3A_386 : memref<1x200x64xf32, #tpu.memory_space<hbm>> -> memref<200x64xf32, #tpu.memory_space<hbm>>
    %dma_wait3A_388 = arith.constant 0 : i32
    %dma_wait3A_389 = arith.constant 0 : i32
    %dma_wait3A_390 = tpu.memref_slice %arg4[%add3A_383, %dma_wait3A_388, %dma_wait3A_389] : memref<4096x200x64xf32, #tpu.memory_space<hbm>> -> memref<1x200x64xf32, #tpu.memory_space<hbm>>
    %dma_wait3A_391 = tpu.memref_squeeze %dma_wait3A_390 : memref<1x200x64xf32, #tpu.memory_space<hbm>> -> memref<200x64xf32, #tpu.memory_space<hbm>>
    tpu.wait_dma2 semaphore(%arg25 : memref<!tpu.dma_semaphore, #tpu.memory_space<semaphore_mem>>) src(%arg13 : memref<200x64xf32, #tpu.memory_space<vmem>>) dst(%dma_wait3A_391 : memref<200x64xf32, #tpu.memory_space<hbm>>)
    %add3A_392 = arith.constant 125 : i32
    %add3A_393 = arith.addi %mul3A_2, %add3A_392 : i32
    %dma_wait3A_394 = arith.constant 0 : i32
    %dma_wait3A_395 = arith.constant 0 : i32
    %dma_wait3A_396 = tpu.memref_slice %arg4[%add3A_393, %dma_wait3A_394, %dma_wait3A_395] : memref<4096x200x64xf32, #tpu.memory_space<hbm>> -> memref<1x200x64xf32, #tpu.memory_space<hbm>>
    %dma_wait3A_397 = tpu.memref_squeeze %dma_wait3A_396 : memref<1x200x64xf32, #tpu.memory_space<hbm>> -> memref<200x64xf32, #tpu.memory_space<hbm>>
    %dma_wait3A_398 = arith.constant 0 : i32
    %dma_wait3A_399 = arith.constant 0 : i32
    %dma_wait3A_400 = tpu.memref_slice %arg4[%add3A_393, %dma_wait3A_398, %dma_wait3A_399] : memref<4096x200x64xf32, #tpu.memory_space<hbm>> -> memref<1x200x64xf32, #tpu.memory_space<hbm>>
    %dma_wait3A_401 = tpu.memref_squeeze %dma_wait3A_400 : memref<1x200x64xf32, #tpu.memory_space<hbm>> -> memref<200x64xf32, #tpu.memory_space<hbm>>
    tpu.wait_dma2 semaphore(%arg26 : memref<!tpu.dma_semaphore, #tpu.memory_space<semaphore_mem>>) src(%arg14 : memref<200x64xf32, #tpu.memory_space<vmem>>) dst(%dma_wait3A_401 : memref<200x64xf32, #tpu.memory_space<hbm>>)
    %add3A_402 = arith.constant 126 : i32
    %add3A_403 = arith.addi %mul3A_2, %add3A_402 : i32
    %dma_wait3A_404 = arith.constant 0 : i32
    %dma_wait3A_405 = arith.constant 0 : i32
    %dma_wait3A_406 = tpu.memref_slice %arg4[%add3A_403, %dma_wait3A_404, %dma_wait3A_405] : memref<4096x200x64xf32, #tpu.memory_space<hbm>> -> memref<1x200x64xf32, #tpu.memory_space<hbm>>
    %dma_wait3A_407 = tpu.memref_squeeze %dma_wait3A_406 : memref<1x200x64xf32, #tpu.memory_space<hbm>> -> memref<200x64xf32, #tpu.memory_space<hbm>>
    %dma_wait3A_408 = arith.constant 0 : i32
    %dma_wait3A_409 = arith.constant 0 : i32
    %dma_wait3A_410 = tpu.memref_slice %arg4[%add3A_403, %dma_wait3A_408, %dma_wait3A_409] : memref<4096x200x64xf32, #tpu.memory_space<hbm>> -> memref<1x200x64xf32, #tpu.memory_space<hbm>>
    %dma_wait3A_411 = tpu.memref_squeeze %dma_wait3A_410 : memref<1x200x64xf32, #tpu.memory_space<hbm>> -> memref<200x64xf32, #tpu.memory_space<hbm>>
    tpu.wait_dma2 semaphore(%arg27 : memref<!tpu.dma_semaphore, #tpu.memory_space<semaphore_mem>>) src(%arg15 : memref<200x64xf32, #tpu.memory_space<vmem>>) dst(%dma_wait3A_411 : memref<200x64xf32, #tpu.memory_space<hbm>>)
    %add3A_412 = arith.constant 127 : i32
    %add3A_413 = arith.addi %mul3A_2, %add3A_412 : i32
    %dma_wait3A_414 = arith.constant 0 : i32
    %dma_wait3A_415 = arith.constant 0 : i32
    %dma_wait3A_416 = tpu.memref_slice %arg4[%add3A_413, %dma_wait3A_414, %dma_wait3A_415] : memref<4096x200x64xf32, #tpu.memory_space<hbm>> -> memref<1x200x64xf32, #tpu.memory_space<hbm>>
    %dma_wait3A_417 = tpu.memref_squeeze %dma_wait3A_416 : memref<1x200x64xf32, #tpu.memory_space<hbm>> -> memref<200x64xf32, #tpu.memory_space<hbm>>
    %dma_wait3A_418 = arith.constant 0 : i32
    %dma_wait3A_419 = arith.constant 0 : i32
    %dma_wait3A_420 = tpu.memref_slice %arg4[%add3A_413, %dma_wait3A_418, %dma_wait3A_419] : memref<4096x200x64xf32, #tpu.memory_space<hbm>> -> memref<1x200x64xf32, #tpu.memory_space<hbm>>
    %dma_wait3A_421 = tpu.memref_squeeze %dma_wait3A_420 : memref<1x200x64xf32, #tpu.memory_space<hbm>> -> memref<200x64xf32, #tpu.memory_space<hbm>>
    tpu.wait_dma2 semaphore(%arg28 : memref<!tpu.dma_semaphore, #tpu.memory_space<semaphore_mem>>) src(%arg16 : memref<200x64xf32, #tpu.memory_space<vmem>>) dst(%dma_wait3A_421 : memref<200x64xf32, #tpu.memory_space<hbm>>)
    return
  }
}

</mosaic_0001>

<sc_bundles>
// kernel: kernel.3.cloned.1.call-start
scs
__scs_entry_jumppad:
0x0: {  	(pc) =	sbr.rel $0x88, $3  }
0x1: {  	(tag) =	ssettag $0x0;
	lr =	simm.s32 $0x1  }
0x2: {  	[smem:$0x3F9F] =	sst lr;
	_ =	strace $0xD0000000  }
0x3: {  	_ = 	snop  }
0x4: {  	_ = 	snop  }
0x5: {  	_ = 	snop  }
0x6: {  	_ = 	snop  }
0x7: {  	_ = 	snop  }
__scs_overlays_trampoline_lowered:
0x8: {  	[smem:$0x3FAE] =	sst s0  }
0x9: {  	[smem:$0x3FAF] =	sst s1  }
0xa: {  	[smem:$0x3FB0] =	sst s2  }
0xb: {  	[smem:$0x3FB1] =	sst s3  }
0xc: {  	[smem:$0x3FB2] =	sst s4  }
0xd: {  	[smem:$0x3FB3] =	sst s5  }
0xe: {  	[smem:$0x3FB4] =	sst s6  }
0xf: {  	[smem:$0x3FB5] =	sst s7  }
0x10: {  	[smem:$0x3FB6] =	sst s8  }
0x11: {  	[smem:$0x3FB7] =	sst s9;
	s0 =	simm.s32 @!p0 $0x0  }
0x12: {  	s1 =	sld [smem:$0x3F9D];
	s0 =	simm.s32 @p0 $0x1  }
0x13: {  	[smem:$0x3FB8] =	sst s0;
	s0 =	simm.s32 @!p1 $0x0  }
0x14: {  	s2 =	sld [smem:$0x3F9C];
	s0 =	simm.s32 @p1 $0x1  }
0x15: {  	[smem:$0x3FB9] =	sst s0;
	s0 =	simm.s32 @!p2 $0x0  }
0x16: {  	s3 =	sld [smem:$0x3FDB];
	s0 =	simm.s32 @p2 $0x1  }
0x17: {  	s4 =	simm.s32 $0x1BF5;
	[smem:$0x3FBB] =	sst s0  }
0x18: {  	s0 =	sld [smem:$0x3F9E];
	_ =	swait.ge [sflag:s4], $0x0  }
0x19: {  	s7 =	sld [smem:$0x3F9F]  }
0x1a: {  	s8 =	sadd.s32 $0xFFFFE003, lr  }
0x1b: {  	s9 =	sadd.s32 $0xFFFFFEF7, lr;
	s5 =	simm.s32 $0xFFFFFFFF;
	p2 =	slt.u32 s8, $0xFFFFF086  }
0x1c: {  	p1 =	slt.u32 s9, $0xF7A;
	s5 =	simm.s32 @!p2 $0x0  }
0x1d: {  	s5 =	simm.s32 @p1 $0x1;
	p0 =	seq.s32 s7, s2  }
0x1e: {  	s7 =	smul.u32 @!p0 $0xF7A, s2;
	p2 =	seq.s32 @!p0 s5, $0x0  }
0x1f: {  	s9 =	smul.u32 $0xF7A, s1;
	s8 =	simm.s32 @!p0 $0x1BF5;
	p2 =	por !p2, p0  }
0x20: {  	[sflag:s8] =	ssyncset.s32 @!p0 $0xFFFFF086;
	s6 =	sadd.s32 @!p0 s3, s7;
	s7 =	simm.s32 @!p0 $0x108  }
0x21: {  	s3 =	sadd.s32 s3, s9;
	s6 =	sadd.s32 @!p0 $0x88, s6;
	s7 =	simm.s32 @p2 $0x1082  }
0x22: {  	[simem:s7], [sflag:s8] =	dma.local @!p0 [hbm:s6], $0xF7A  }
0x23: {  	s9 =	sor.u32 $0xD0000000, s2;
	s6 =	simm.s32 $0x108;
	_ =	swait.ge @!p0 [sflag:s8], $0x0  }
0x24: {  	s3 =	sadd.s32 $0x88, s3;
	s6 =	simm.s32 @!p1 $0x1082;
	[sflag:s4] =	ssyncset.s32 $0xFFFFF086  }
0x25: {  	[simem:s6], [sflag:s4] =	dma.local [hbm:s3], $0xF7A  }
0x26: {  	[smem:$0x3F9F] =	sst s1;
	(tag) =	ssettag s2;
	_ =	strace s9  }
0x27: {  	s1 =	sld [smem:$0x3FAF]  }
0x28: {  	s2 =	sld [smem:$0x3FB0]  }
0x29: {  	s4 =	sld [smem:$0x3FB2]  }
0x2a: {  	p0 =	seq.s32 s5, $0x0;
	s5 =	sld [smem:$0x3FB3]  }
0x2b: {  	s6 =	sld [smem:$0x3FB4]  }
0x2c: {  	s7 =	sld [smem:$0x3FB5]  }
0x2d: {  	s3 =	simm.s32 $0x108;
	s8 =	sld [smem:$0x3FB6]  }
0x2e: {  	s3 =	simm.s32 @!p0 $0x1082;
	s9 =	sld [smem:$0x3FB7]  }
0x2f: {  	lr =	sadd.s32 s0, s3;
	s0 =	sld [smem:$0x3FAE]  }
0x30: {  	s3 =	sld [smem:$0x3FB1]  }
0x31: {  	[smem:$0x3FBA] =	sst s10  }
0x32: {  	s10 =	sld [smem:$0x3FB8];
	_ =	sdelay $0x3  }
0x33: {  	p0 =	seq.s32 s10, $0x1;
	s10 =	sld [smem:$0x3FBA];
	_ =	sdelay $0x3  }
0x34: {  	[smem:$0x3FBA] =	sst s10  }
0x35: {  	s10 =	sld [smem:$0x3FB9];
	_ =	sdelay $0x3  }
0x36: {  	p1 =	seq.s32 s10, $0x1;
	s10 =	sld [smem:$0x3FBA];
	_ =	sdelay $0x3  }
0x37: {  	[smem:$0x3FBA] =	sst s10  }
0x38: {  	s10 =	sld [smem:$0x3FBB]  }
0x39: {  	_ = 	snop;
	(pc) =	sbr.ind lr, $3  }
0x3a: {  	_ = 	snop  }
0x3b: {  	_ = 	snop  }
0x3c: {  	p2 =	seq.s32 s10, $0x1;
	s10 =	sld [smem:$0x3FBA]  }
0x3d: {  	_ =	shalt  }
0x3e: {  	_ =	shalt  }
0x3f: {  	_ =	shalt  }
0x40: {  	_ =	shalt  }
0x41: {  	_ =	shalt  }
0x42: {  	_ =	shalt  }
0x43: {  	_ =	shalt  }
0x44: {  	_ =	shalt  }
0x45: {  	_ =	shalt  }
0x46: {  	_ =	shalt  }
0x47: {  	_ =	shalt  }
0x48: {  	_ =	shalt  }
0x49: {  	_ =	shalt  }
0x4a: {  	_ =	shalt  }
0x4b: {  	_ =	shalt  }
0x4c: {  	_ =	shalt  }
0x4d: {  	_ =	shalt  }
0x4e: {  	_ =	shalt  }
0x4f: {  	_ =	shalt  }
0x50: {  	_ =	shalt  }
0x51: {  	_ =	shalt  }
0x52: {  	_ =	shalt  }
0x53: {  	_ =	shalt  }
0x54: {  	_ =	shalt  }
0x55: {  	_ =	shalt  }
0x56: {  	_ =	shalt  }
0x57: {  	_ =	shalt  }
0x58: {  	_ =	shalt  }
0x59: {  	_ =	shalt  }
0x5a: {  	_ =	shalt  }
0x5b: {  	_ =	shalt  }
0x5c: {  	_ =	shalt  }
0x5d: {  	_ =	shalt  }
0x5e: {  	_ =	shalt  }
0x5f: {  	_ =	shalt  }
0x60: {  	_ =	shalt  }
0x61: {  	_ =	shalt  }
0x62: {  	_ =	shalt  }
0x63: {  	_ =	shalt  }
0x64: {  	_ =	shalt  }
0x65: {  	_ =	shalt  }
0x66: {  	_ =	shalt  }
0x67: {  	_ =	shalt  }
0x68: {  	_ =	shalt  }
0x69: {  	_ =	shalt  }
0x6a: {  	_ =	shalt  }
0x6b: {  	_ =	shalt  }
0x6c: {  	_ =	shalt  }
0x6d: {  	_ =	shalt  }
0x6e: {  	_ =	shalt  }
0x6f: {  	_ =	shalt  }
0x70: {  	_ =	shalt  }
0x71: {  	_ =	shalt  }
0x72: {  	_ =	shalt  }
0x73: {  	_ =	shalt  }
0x74: {  	_ =	shalt  }
0x75: {  	_ =	shalt  }
0x76: {  	_ =	shalt  }
0x77: {  	_ =	shalt  }
0x78: {  	_ =	shalt  }
0x79: {  	_ =	shalt  }
0x7a: {  	_ =	shalt  }
0x7b: {  	_ =	shalt  }
0x7c: {  	_ =	shalt  }
0x7d: {  	_ =	shalt  }
0x7e: {  	_ =	shalt  }
0x7f: {  	_ =	shalt  }
0x80: {  	_ =	shalt  }
0x81: {  	_ =	shalt  }
0x82: {  	_ =	shalt  }
0x83: {  	_ =	shalt  }
0x84: {  	_ =	shalt  }
0x85: {  	_ =	shalt  }
0x86: {  	_ =	shalt  }
0x87: {  	_ =	shalt  }
.Lfunc_end0:
.L_simem_size_0:
called_computation.1_lowered:
.L_overlay_start_0:
0x88: {  	s2 =	sld [smem:$0x3FD9]  }
0x89: {  	s3 =	sld [smem:$0x3FFE];
	_ =	sdelay $0x1  }
0x8a: {  	s1 =	srdreg.scid  }
0x8b: {  	s0 =	sand.u32 $0x1, s1  }
0x8c: {  	s17 =	sshll.u32 s0, $0xA;
	s2 =	sadd.s32 s3, s2  }
0x8d: {  	s2 =	sadd.s32 s2, s17  }
0x8e: {  	[smem:$0x3FC6] =	sst s2  }
0x8f: {  	_ = 	snop  }
0x90: {  	s2 =	sld [smem:$0x3FD0];
	(tm) =	ssettm $0x1  }
0x91: {  	s18 =	sld [smem:$0x3FFB];
	_ =	sdelay $0x3  }
0x92: {  	_ =	strace s18  }
0x93: {  	s3 =	sld [smem:$0x3FFC];
	_ =	sdelay $0x3  }
0x94: {  	_ =	strace s3  }
0x95: {  	s3 =	sld [smem:$0x3FFD];
	_ =	sdelay $0x3  }
0x96: {  	_ =	strace s3  }
0x97: {  	_ =	strace $0x8FFFFFFF  }
0x98: {  	s19 =	sld [smem:$0x3FDB];
	_ =	sdelay $0x1  }
0x99: {  	s4 =	simm.s32 $_scs_section_size  }
0x9a: {  	s5 =	simm.s32 $_size__tile_overlayer_lowered;
	s6 =	simm.s32 $_tile_overlayer_lowered  }
0x9b: {  	s22 =	simm.s32 $0x1BFF;
	s21 =	sshll.u32 s6, $0x1;
	s3 =	sadd.s32 s4, s19  }
0x9c: {  	s7 =	simm.s32 $0x0;
	s20 =	sshll.u32 s5, $0x1;
	s5 =	sadd.s32 s21, s3  }
0x9d: {  	[timem:s7], [sflag:s22] =	dma.local [hbm:s5], s20  }
0x9e: {  	_ =	swait.ge [sflag:s22], s20  }
0x9f: {  	s4 =	ssub.s32 $0x0, s20;
	[sflag:s22] =	ssyncset.done $0x0  }
0xa0: {  	[sflag:s22] =	ssyncadd.s32 s4;
	_ =	sdelay $0x1  }
0xa1: {  	s23 =	simm.s32 $0x1B8B  }
0xa2: {  	_ =	swait.ge [sflag:s23], $0x1  }
0xa3: {  	[sflag:s23] =	ssyncset.done $0x0  }
0xa4: {  	s25 =	simm.s32 $0x1B8E;
	s24 =	sld [smem:$0x3FFE];
	[sflag:s23] =	ssyncadd.s32 $0xFFFFFFFF  }
0xa5: {  	s26 =	simm.s32 $execute0_lowered;
	[smem:$0x3FD2] =	sst s25  }
0xa6: {  	s5 =	sshll.u32 s26, $0x1;
	_ =	strace $0x80000046;
	[dreg:$0x1] =	wrdreg $0xFFFFFFFF  }
0xa7: {  	s28 =	simm.s32 $_size_execute0_lowered;
	s3 =	sadd.s32 s3, s5;
	[dreg:$0x0] =	wrdreg $0x0  }
0xa8: {  	s5 =	sshll.u32 s28, $0x1;
	[dreg:$0x2] =	wrdreg s3  }
0xa9: {  	[dreg:$0x3] =	wrdreg s5  }
0xaa: {  	[dreg:$0x4] =	wrdreg $0xC0  }
0xab: {  	_ =	task [dreg:s7], $0x5FFFF  }
0xac: {  	[dreg:$0x1] =	wrdreg $0xFFFFFFFF  }
0xad: {  	[dreg:$0x0] =	wrdreg $0x60  }
0xae: {  	[dreg:$0x2] =	wrdreg s24  }
0xaf: {  	[dreg:$0x3] =	wrdreg s2  }
0xb0: {  	[dreg:$0x4] =	wrdreg $0x9  }
0xb1: {  	_ =	task.clear_ibuf [dreg:s7], $0x5FFFF;
	_ =	strace $0x90000046  }
0xb2: {  	s29 =	simm.s32 $0x9;
	_ =	strace $0x80000048  }
0xb3: {  	_ =	swait.ge [sflag:s29], $0x1  }
0xb4: {  	[sflag:s29] =	ssyncadd.s32 $0xFFFFFFFF  }
0xb5: {  	_ =	strace $0x90000048  }
0xb6: {  	_ =	sfence  }
0xb7: {  	s30 =	sld [smem:$0x0];
	_ =	sdelay $0x2  }
0xb8: {  	s31 =	sshll.u32 s1, $0xD;
	s1 =	sshrl.u32 s1, $0x2  }
0xb9: {  	s3 =	sand.u32 $0x4000, s31;
	s1 =	sadd.s32 s1, s30  }
0xba: {  	s0 =	sor.u32 s3, s0;
	s1 =	sshll.u32 s1, $0x11  }
0xbb: {  	s0 =	sor.u32 s1, s0  }
0xbc: {  	s0 =	sadd.s32 $0x8F2B, s0  }
0xbd: {  	[sflag:s0] =	ssyncadd.remote.s32 $0x1  }
0xbe: {  	_ =	sfence.sel $0xFFFF  }
0xbf: {  	[dreg:$0x0] =	wrdreg $0xFFFFFFFF;
	(pc) =	sbr.abs _section_cstart, $3  }
0xc0: {  	[dreg:$0x1] =	wrdreg $0xFFFFFFFF  }
0xc1: {  	_ =	task.clear_ibuf [dreg:s7], $0x2FFFF;
	_ =	strace $0x9FFFFFFF  }
0xc2: {  	(tm) =	ssettm $0x7FFFFFFF  }
0xc3: {  	_ =	shalt  }
tec
execute0_lowered:
.L_overlay_start_1:
0x0: {  	(tag) =	ssettag $0x1  }
0x1: {  	s3 =	srdreg.scid;
	s15 =	stileid.u32  }
0x2: {  	s1 =	rddreg [dreg:$0x0];
	s4 =	sand.u32 $0x1, s3;
	s22 =	smul.u32 $0xC800, s15  }
0x3: {  	s26 =	sshll.u32 s15, $0x8;
	s25 =	smul.u32 $0x1900, s15;
	s5 =	sshll.u32 s4, $0x7  }
0x4: {  	s0 =	rddreg [dreg:$0x1];
	s24 =	smul.u32 $0x6400, s4;
	s5 =	sor.u32 s5, s26  }
0x5: {  	s2 =	simm.s32 $0x0;
	s8 =	smul.u32 $0xC8, s5;
	s10 =	sor.u32 $0x1, s5  }
0x6: {  	s12 =	sor.u32 $0x2, s5;
	s14 =	sor.u32 $0x3, s5;
	s5 =	smul.u32 $0x640, s5  }
0x7: {  	s29 =	simm.s32 $0x4;
	s30 =	simm.s32 $0x9920;
	s11 =	smul.u32 $0xC8, s10  }
0x8: {  	[smem:$0x7FF] =	sst s2;
	s6 =	sadd.s32 $0xA00, s1;
	s13 =	smul.u32 $0xC8, s12  }
0x9: {  	s3 =	sadd.s32 $0xF42E00, s1;
	s7 =	ssub.s32 $0x2, s4;
	s31 =	smul.u32 $0x19, s14  }
0xa: {  	s1 =	sadd.s32 $0xA10, s1;
	s9 =	sshrl.u32 s7, $0x1;
	s10 =	smul.u32 $0x640, s10  }
0xb: {  	_ =	strace $0x80000047;
	s7 =	ssub.s32 s7, s9;
	s12 =	smul.u32 $0x640, s12  }
0xc: {  	s28 =	sshrl.u32 s8, $0x3;
	s18 =	sadd.s32 $0x468, s8;
	s23 =	sadd.s32 $0x578, s8  }
0xd: {  	s8 =	sadd.s32 $0x5F8, s8;
	s16 =	sadd.s32 s6, s28;
	s9 =	sadd.s32 s28, s1  }
0xe: {  	s11 =	sshrl.u32 s11, $0x3;
	s1 =	sadd.s32 s31, s1;
	[dreg:$0x4] =	wrdreg s9  }
0xf: {  	s17 =	sshrl.u32 s13, $0x3;
	s20 =	sadd.s32 s0, s10;
	[dreg:$0x9] =	wrdreg s1  }
0x10: {  	s21 =	sadd.s32 s0, s12;
	s8 =	sshrl.u32 s8, $0x3;
	[dreg:$0xc] =	wrdreg s20  }
0x11: {  	s28 =	smul.u32 $0xC80, s4;
	s10 =	sadd.s32 s25, s6;
	[dreg:$0xd] =	wrdreg s21  }
0x12: {  	s12 =	smul.u32 $0x64000, s15;
	s11 =	sadd.s32 s6, s11;
	[dreg:$0x3] =	wrdreg s16  }
0x13: {  	s13 =	sadd.s32 s6, s17;
	s17 =	sadd.s32 s6, s31;
	[dreg:$0x5] =	wrdreg s11  }
0x14: {  	s4 =	smul.u32 $0x32000, s4;
	s26 =	sadd.s32 s6, s8;
	[dreg:$0x8] =	wrdreg s17  }
0x15: {  	s31 =	smul.u32 $0x640, s14;
	s1 =	sadd.s32 s24, s22;
	[dreg:$0xf] =	wrdreg s26  }
0x16: {  	s21 =	smax.u32 s7, $0x1;
	s24 =	sadd.s32 $0x74, s16;
	[dreg:$0x7] =	wrdreg s13  }
0x17: {  	s25 =	sadd.s32 $0x7D, s16;
	s7 =	simm.s32 $0x80;
	[dreg:$0x13] =	wrdreg s21  }
0x18: {  	s11 =	sadd.s32 $0x10, s11;
	s17 =	sadd.s32 s28, s10;
	[dreg:$0x16] =	wrdreg s24  }
0x19: {  	s15 =	sadd.s32 $0x850, s1;
	s20 =	sadd.s32 $0x10, s13;
	[dreg:$0x17] =	wrdreg s25  }
0x1a: {  	s26 =	sadd.s32 $0x96, s16;
	s28 =	sadd.s32 $0xA6, s16;
	s13 =	simm.s32 $0x2D8  }
0x1b: {  	s24 =	simm.s32 $0x3;
	s25 =	simm.s32 $0x6;
	[dreg:$0x6] =	wrdreg s11  }
0x1c: {  	s11 =	sshrl.u32 s18, $0x3;
	s18 =	sadd.s32 s0, s5;
	[dreg:$0x12] =	wrdreg s20  }
0x1d: {  	s5 =	sshrl.u32 s23, $0x3;
	s8 =	sadd.s32 s0, s31;
	[dreg:$0x18] =	wrdreg s26  }
0x1e: {  	s0 =	sadd.s32 s12, s0;
	s23 =	sadd.s32 $0x64, s16;
	[dreg:$0x19] =	wrdreg s28  }
0x1f: {  	s12 =	simm.s32 $0x180;
	s16 =	simm.s32 $0xA;
	[dreg:$0x10] =	wrdreg s8  }
0x20: {  	s19 =	sadd.s32 s6, s11;
	s5 =	sadd.s32 s6, s5;
	[dreg:$0x15] =	wrdreg s23  }
0x21: {  	s11 =	sadd.s32 $0x918, s1;
	s0 =	sadd.s32 s4, s0;
	[dreg:$0xa] =	wrdreg s18  }
0x22: {  	s31 =	sadd.s32 $0x319C0, s18;
	s23 =	simm.s32 $0x5;
	[dreg:$0xb] =	wrdreg s19  }
0x23: {  	[dreg:$0xe] =	wrdreg s5;
	s14 =	sshrl.u32 s11, $0x3;
	s19 =	sadd.s32 $0x788, s1  }
0x24: {  	s1 =	sadd.s32 $0x6C0, s1;
	s5 =	sshrl.u32 s15, $0x3;
	s0 =	sadd.s32 $0x1900, s0  }
0x25: {  	[dreg:$0x1a] =	wrdreg s31;
	s15 =	simm.s32 $0x48;
	s11 =	simm.s32 $0x2  }
0x26: {  	s8 =	sadd.s32 s14, s6;
	s4 =	sshrl.u32 s19, $0x3;
	s1 =	sshrl.u32 s1, $0x3  }
.Ltmp0:
0x27: {  	s5 =	sadd.s32 s5, s6;
	[dreg:$0x14] =	wrdreg s0;
	(pc) =	sbr.rel .LBB2_1-.Ltmp0, $4  }
0x28: {  	s0 =	sadd.s32 $0x31380, s18;
	s18 =	simm.s32 $0x3520;
	[dreg:$0x11] =	wrdreg s8  }
0x29: {  	s14 =	simm.s32 $0xB;
	[dreg:$0x1b] =	wrdreg s5;
	s4 =	sadd.s32 s4, s6  }
0x2a: {  	s22 =	sadd.s32 s1, s6;
	s1 =	simm.s32 $0x7;
	s5 =	simm.s32 $0x8  }
0x2b: {  	s8 =	simm.s32 $0x0;
	[dreg:$0x1c] =	wrdreg s4;
	s4 =	simm.s32 $0xC  }
.LBB2_4:
0x2c: {  	s6 =	rddreg [dreg:$0x1a];
	s28 =	simm.s32 $0x9  }
0x2d: {  	[hbm4b:s6+s2] =	stream.linear.scatter [tilespmem:s30], [sflag:$0xC], $0x3200, $0x38;
	[tilespmem:$0xCB20] =	vst v63  }
0x2e: {  	_ =	swait.ge [sflag:s28], $0x3200  }
0x2f: {  	[sflag:s28] =	ssyncset.done $0x0  }
0x30: {  	[sflag:s28] =	ssyncadd.s32 $0xFFFFCE00  }
0x31: {  	_ =	swait.ge [sflag:s16], $0x3200  }
0x32: {  	[sflag:s16] =	ssyncset.done $0x0  }
0x33: {  	[sflag:s16] =	ssyncadd.s32 $0xFFFFCE00  }
0x34: {  	_ =	swait.ge [sflag:s14], $0x3200  }
0x35: {  	[sflag:s14] =	ssyncset.done $0x0  }
0x36: {  	[sflag:s14] =	ssyncadd.s32 $0xFFFFCE00  }
0x37: {  	_ =	swait.ge [sflag:s4], $0x3200  }
0x38: {  	s8 =	rddreg [dreg:$0x1d]  }
0x39: {  	s31 =	rddreg [dreg:$0x13];
	s8 =	sadd.s32 $0x1, s8  }
0x3a: {  	p0 =	sne.s32 s8, s31  }
.Ltmp1:
0x3b: {  	_ = 	snop;
	(pc) =	sbr.rel @!p0 .LBB2_5-.Ltmp1, $3  }
0x3c: {  	_ =	sdelay $0x1  }
0x3d: {  	[sflag:s4] =	ssyncset.done $0x0  }
0x3e: {  	[sflag:s4] =	ssyncadd.s32 $0xFFFFCE00  }
.LBB2_1:
0x3f: {  	[dreg:$0x1d] =	wrdreg s8  }
0x40: {  	s6 =	rddreg [dreg:$0x3]  }
0x41: {  	[tilespmem:s2], [sflag:$0x1] =	stream.linear.gather [hbm4b:s6+s2], $0x80, $0x38;
	[tilespmem:$0xCB20] =	vst v63  }
0x42: {  	s10 =	rddreg [dreg:$0x4];
	s8 =	simm.s32 $0x200  }
0x43: {  	[tilespmem:s8], [sflag:$0x1] =	stream.linear.gather [hbm4b:s10+s2], $0x48, $0x38;
	[tilespmem:$0xCB20] =	vst v63  }
0x44: {  	s19 =	rddreg [dreg:$0x5]  }
0x45: {  	[tilespmem:s7], [sflag:$0x2] =	stream.linear.gather [hbm4b:s19+s2], $0x80, $0x38;
	[tilespmem:$0xCB20] =	vst v63  }
0x46: {  	s20 =	rddreg [dreg:$0x6];
	s28 =	simm.s32 $0x248  }
0x47: {  	[tilespmem:s28], [sflag:$0x2] =	stream.linear.gather [hbm4b:s20+s2], $0x48, $0x38;
	[tilespmem:$0xCB20] =	vst v63  }
0x48: {  	s21 =	rddreg [dreg:$0x7];
	s10 =	simm.s32 $0x100  }
0x49: {  	[tilespmem:s10], [sflag:$0x3] =	stream.linear.gather [hbm4b:s21+s2], $0x80, $0x38;
	[tilespmem:$0xCB20] =	vst v63  }
0x4a: {  	s26 =	rddreg [dreg:$0x12];
	s19 =	simm.s32 $0x290  }
0x4b: {  	[tilespmem:s19], [sflag:$0x3] =	stream.linear.gather [hbm4b:s26+s2], $0x48, $0x38;
	[tilespmem:$0xCB20] =	vst v63  }
0x4c: {  	s31 =	rddreg [dreg:$0x8]  }
0x4d: {  	[tilespmem:s12], [sflag:$0x4] =	stream.linear.gather [hbm4b:s31+s2], $0x80, $0x38;
	[tilespmem:$0xCB20] =	vst v63  }
0x4e: {  	s20 =	rddreg [dreg:$0x9]  }
0x4f: {  	[tilespmem:s13], [sflag:$0x4] =	stream.linear.gather [hbm4b:s20+s2], $0x48, $0x38;
	[tilespmem:$0xCB20] =	vst v63  }
0x50: {  	s20 =	simm.s32 $0x1  }
0x51: {  	_ =	swait.ge [sflag:s20], $0x80  }
0x52: {  	[sflag:s20] =	ssyncset.done $0x0  }
0x53: {  	[sflag:s20] =	ssyncadd.s32 $0xFFFFFF80  }
0x54: {  	_ =	swait.ge [sflag:s20], $0x48  }
0x55: {  	[sflag:s20] =	ssyncset.done $0x0  }
0x56: {  	s26 =	simm.s32 $0x320;
	[sflag:s20] =	ssyncadd.s32 $0xFFFFFFB8  }
0x57: {  	[tilespmem:s26], [sflag:$0x5] =	stream.indirect.gather [hbm4b:s3+s7], $0x40, s2, s7, $0xb8;
	[tilespmem:$0xCB20] =	vst v63  }
0x58: {  	s31 =	simm.s32 $0x2320  }
0x59: {  	[tilespmem:s31], [sflag:$0x5] =	stream.indirect.gather [hbm4b:s3+s15], $0x40, s8, s15, $0xb8;
	[tilespmem:$0xCB20] =	vst v63  }
0x5a: {  	_ =	swait.ge [sflag:s11], $0x80  }
0x5b: {  	[sflag:s11] =	ssyncset.done $0x0  }
0x5c: {  	[sflag:s11] =	ssyncadd.s32 $0xFFFFFF80  }
0x5d: {  	_ =	swait.ge [sflag:s11], $0x48  }
0x5e: {  	[sflag:s11] =	ssyncset.done $0x0  }
0x5f: {  	[sflag:s11] =	ssyncadd.s32 $0xFFFFFFB8  }
0x60: {  	[tilespmem:s18], [sflag:$0x6] =	stream.indirect.gather [hbm4b:s3+s7], $0x40, s7, s7, $0xb8;
	[tilespmem:$0xCB20] =	vst v63  }
0x61: {  	s21 =	simm.s32 $0x5520  }
0x62: {  	[tilespmem:s21], [sflag:$0x6] =	stream.indirect.gather [hbm4b:s3+s15], $0x40, s28, s15, $0xb8;
	[tilespmem:$0xCB20] =	vst v63  }
0x63: {  	_ =	swait.ge [sflag:s23], $0x2000  }
0x64: {  	[sflag:s23] =	ssyncset.done $0x0  }
0x65: {  	[sflag:s23] =	ssyncadd.s32 $0xFFFFE000  }
0x66: {  	_ =	swait.ge [sflag:s23], $0x1200  }
0x67: {  	[sflag:s23] =	ssyncset.done $0x0  }
0x68: {  	s21 =	rddreg [dreg:$0x15];
	[sflag:s23] =	ssyncadd.s32 $0xFFFFEE00  }
0x69: {  	[tilespmem:s2], [sflag:$0x1] =	stream.linear.gather [hbm4b:s21+s2], $0x80, $0x38;
	[tilespmem:$0xCB20] =	vst v63  }
0x6a: {  	s21 =	rddreg [dreg:$0x16]  }
0x6b: {  	[tilespmem:s8], [sflag:$0x1] =	stream.linear.gather [hbm4b:s21+s2], $0x48, $0x38;
	[tilespmem:$0xCB20] =	vst v63  }
0x6c: {  	s21 =	rddreg [dreg:$0xa]  }
0x6d: {  	[hbm4b:s21+s2] =	stream.linear.scatter [tilespmem:s26], [sflag:$0x9], $0x3200, $0x38;
	[tilespmem:$0xCB20] =	vst v63  }
0x6e: {  	_ =	swait.ge [sflag:s24], $0x80  }
0x6f: {  	[sflag:s24] =	ssyncset.done $0x0  }
0x70: {  	[sflag:s24] =	ssyncadd.s32 $0xFFFFFF80  }
0x71: {  	_ =	swait.ge [sflag:s24], $0x48  }
0x72: {  	[sflag:s24] =	ssyncset.done $0x0  }
0x73: {  	s21 =	simm.s32 $0x6720;
	[sflag:s24] =	ssyncadd.s32 $0xFFFFFFB8  }
0x74: {  	[tilespmem:s21], [sflag:$0x7] =	stream.indirect.gather [hbm4b:s3+s7], $0x40, s10, s7, $0xb8;
	[tilespmem:$0xCB20] =	vst v63  }
0x75: {  	s6 =	simm.s32 $0x8720  }
0x76: {  	[tilespmem:s6], [sflag:$0x7] =	stream.indirect.gather [hbm4b:s3+s15], $0x40, s19, s15, $0xb8;
	[tilespmem:$0xCB20] =	vst v63  }
0x77: {  	_ =	swait.ge [sflag:s25], $0x2000  }
0x78: {  	[sflag:s25] =	ssyncset.done $0x0  }
0x79: {  	[sflag:s25] =	ssyncadd.s32 $0xFFFFE000  }
0x7a: {  	_ =	swait.ge [sflag:s25], $0x1200  }
0x7b: {  	[sflag:s25] =	ssyncset.done $0x0  }
0x7c: {  	s6 =	rddreg [dreg:$0x17];
	[sflag:s25] =	ssyncadd.s32 $0xFFFFEE00  }
0x7d: {  	[tilespmem:s7], [sflag:$0x2] =	stream.linear.gather [hbm4b:s6+s2], $0x80, $0x38;
	[tilespmem:$0xCB20] =	vst v63  }
0x7e: {  	s6 =	rddreg [dreg:$0xb]  }
0x7f: {  	[tilespmem:s28], [sflag:$0x2] =	stream.linear.gather [hbm4b:s6+s2], $0x48, $0x38;
	[tilespmem:$0xCB20] =	vst v63  }
0x80: {  	s6 =	rddreg [dreg:$0xc]  }
0x81: {  	[hbm4b:s6+s2] =	stream.linear.scatter [tilespmem:s18], [sflag:$0xA], $0x3200, $0x38;
	[tilespmem:$0xCB20] =	vst v63  }
0x82: {  	_ =	swait.ge [sflag:s29], $0x80  }
0x83: {  	[sflag:s29] =	ssyncset.done $0x0  }
0x84: {  	[sflag:s29] =	ssyncadd.s32 $0xFFFFFF80  }
0x85: {  	_ =	swait.ge [sflag:s29], $0x48  }
0x86: {  	[sflag:s29] =	ssyncset.done $0x0  }
0x87: {  	[sflag:s29] =	ssyncadd.s32 $0xFFFFFFB8  }
0x88: {  	[tilespmem:s30], [sflag:$0x8] =	stream.indirect.gather [hbm4b:s3+s7], $0x40, s12, s7, $0xb8;
	[tilespmem:$0xCB20] =	vst v63  }
0x89: {  	s6 =	simm.s32 $0xB920  }
0x8a: {  	[tilespmem:s6], [sflag:$0x8] =	stream.indirect.gather [hbm4b:s3+s15], $0x40, s13, s15, $0xb8;
	[tilespmem:$0xCB20] =	vst v63  }
0x8b: {  	_ =	swait.ge [sflag:s1], $0x2000  }
0x8c: {  	[sflag:s1] =	ssyncset.done $0x0  }
0x8d: {  	[sflag:s1] =	ssyncadd.s32 $0xFFFFE000  }
0x8e: {  	_ =	swait.ge [sflag:s1], $0x1200  }
0x8f: {  	[sflag:s1] =	ssyncset.done $0x0  }
0x90: {  	s6 =	rddreg [dreg:$0x18];
	[sflag:s1] =	ssyncadd.s32 $0xFFFFEE00  }
0x91: {  	[tilespmem:s10], [sflag:$0x3] =	stream.linear.gather [hbm4b:s6+s2], $0x80, $0x38;
	[tilespmem:$0xCB20] =	vst v63  }
0x92: {  	s10 =	rddreg [dreg:$0x19]  }
0x93: {  	[tilespmem:s19], [sflag:$0x3] =	stream.linear.gather [hbm4b:s10+s2], $0x48, $0x38;
	[tilespmem:$0xCB20] =	vst v63  }
0x94: {  	s9 =	simm.s32 $0x9;
	s19 =	rddreg [dreg:$0xd]  }
0x95: {  	[hbm4b:s19+s2] =	stream.linear.scatter [tilespmem:s21], [sflag:$0xB], $0x3200, $0x38;
	[tilespmem:$0xCB20] =	vst v63  }
0x96: {  	_ =	swait.ge [sflag:s9], $0x3200  }
0x97: {  	[sflag:s9] =	ssyncset.done $0x0  }
0x98: {  	[sflag:s9] =	ssyncadd.s32 $0xFFFFCE00  }
0x99: {  	_ =	swait.ge [sflag:s20], $0x80  }
0x9a: {  	[sflag:s20] =	ssyncset.done $0x0  }
0x9b: {  	[sflag:s20] =	ssyncadd.s32 $0xFFFFFF80  }
0x9c: {  	_ =	swait.ge [sflag:s20], $0x48  }
0x9d: {  	[sflag:s20] =	ssyncset.done $0x0  }
0x9e: {  	[sflag:s20] =	ssyncadd.s32 $0xFFFFFFB8  }
0x9f: {  	[tilespmem:s26], [sflag:$0x5] =	stream.indirect.gather [hbm4b:s3+s7], $0x40, s2, s7, $0xb8;
	[tilespmem:$0xCB20] =	vst v63  }
0xa0: {  	_ = 	snop  }
0xa1: {  	[tilespmem:s31], [sflag:$0x5] =	stream.indirect.gather [hbm4b:s3+s15], $0x40, s8, s15, $0xb8;
	[tilespmem:$0xCB20] =	vst v63  }
0xa2: {  	_ =	swait.ge [sflag:s5], $0x2000  }
0xa3: {  	[sflag:s5] =	ssyncset.done $0x0  }
0xa4: {  	[sflag:s5] =	ssyncadd.s32 $0xFFFFE000  }
0xa5: {  	_ =	swait.ge [sflag:s5], $0x1200  }
0xa6: {  	[sflag:s5] =	ssyncset.done $0x0  }
0xa7: {  	s20 =	rddreg [dreg:$0xe];
	[sflag:s5] =	ssyncadd.s32 $0xFFFFEE00  }
0xa8: {  	[tilespmem:s12], [sflag:$0x4] =	stream.linear.gather [hbm4b:s20+s2], $0x80, $0x38;
	[tilespmem:$0xCB20] =	vst v63  }
0xa9: {  	s21 =	rddreg [dreg:$0xf]  }
0xaa: {  	[tilespmem:s13], [sflag:$0x4] =	stream.linear.gather [hbm4b:s21+s2], $0x48, $0x38;
	[tilespmem:$0xCB20] =	vst v63  }
0xab: {  	s26 =	rddreg [dreg:$0x10]  }
0xac: {  	[hbm4b:s26+s2] =	stream.linear.scatter [tilespmem:s30], [sflag:$0xC], $0x3200, $0x38;
	[tilespmem:$0xCB20] =	vst v63  }
0xad: {  	_ =	swait.ge [sflag:s16], $0x3200  }
0xae: {  	[sflag:s16] =	ssyncset.done $0x0  }
0xaf: {  	[sflag:s16] =	ssyncadd.s32 $0xFFFFCE00  }
0xb0: {  	_ =	swait.ge [sflag:s11], $0x80  }
0xb1: {  	[sflag:s11] =	ssyncset.done $0x0  }
0xb2: {  	[sflag:s11] =	ssyncadd.s32 $0xFFFFFF80  }
0xb3: {  	_ =	swait.ge [sflag:s11], $0x48  }
0xb4: {  	[sflag:s11] =	ssyncset.done $0x0  }
0xb5: {  	[sflag:s11] =	ssyncadd.s32 $0xFFFFFFB8  }
0xb6: {  	[tilespmem:s18], [sflag:$0x6] =	stream.indirect.gather [hbm4b:s3+s7], $0x40, s7, s7, $0xb8;
	[tilespmem:$0xCB20] =	vst v63  }
0xb7: {  	s9 =	simm.s32 $0x0;
	s31 =	simm.s32 $0x5520  }
0xb8: {  	[tilespmem:s31], [sflag:$0x6] =	stream.indirect.gather [hbm4b:s3+s15], $0x40, s28, s15, $0xb8;
	[tilespmem:$0xCB20] =	vst v63  }
0xb9: {  	s20 =	simm.s32 $0x248;
	s21 =	simm.s32 $0x5520;
	s28 =	rddreg [dreg:$0x14]  }
.LBB2_2:
0xba: {  	_ =	swait.ge [sflag:s23], $0x2000  }
0xbb: {  	[sflag:s23] =	ssyncset.done $0x0  }
0xbc: {  	[sflag:s23] =	ssyncadd.s32 $0xFFFFE000  }
0xbd: {  	p0 =	seq.s32 s9, $0xBB8;
	_ =	swait.ge [sflag:s23], $0x1200  }
0xbe: {  	s31 =	sadd.s32 @!p0 s9, s17;
	[sflag:s23] =	ssyncset.done $0x0  }
0xbf: {  	s6 =	simm.s32 @!p0 $0x0;
	s10 =	sadd.s32 @!p0 $0xC8, s31;
	[sflag:s23] =	ssyncadd.s32 $0xFFFFEE00  }
0xc0: {  	[tilespmem:s6], [sflag:$0x1] =	stream.linear.gather @!p0 [hbm4b:s10+s6], $0x80, $0x38;
	[tilespmem:$0xCB20] =	vst v63  }
0xc1: {  	s26 =	sadd.s32 @!p0 s9, s22;
	s10 =	simm.s32 @!p0 $0x200  }
0xc2: {  	[tilespmem:s10], [sflag:$0x1] =	stream.linear.gather @!p0 [hbm4b:s26+s6], $0x48, $0x38;
	[tilespmem:$0xCB20] =	vst v63  }
0xc3: {  	s8 =	simm.s32 $0x320  }
0xc4: {  	[hbm4b:s28+s2] =	stream.linear.scatter [tilespmem:s8], [sflag:$0x9], $0x3200, $0x38;
	[tilespmem:$0xCB20] =	vst v63  }
0xc5: {  	_ =	swait.ge [sflag:s14], $0x3200  }
0xc6: {  	[sflag:s14] =	ssyncset.done $0x0  }
0xc7: {  	[sflag:s14] =	ssyncadd.s32 $0xFFFFCE00  }
0xc8: {  	_ =	swait.ge [sflag:s24], $0x80  }
0xc9: {  	[sflag:s24] =	ssyncset.done $0x0  }
0xca: {  	[sflag:s24] =	ssyncadd.s32 $0xFFFFFF80  }
0xcb: {  	_ =	swait.ge [sflag:s24], $0x48  }
0xcc: {  	[sflag:s24] =	ssyncset.done $0x0  }
0xcd: {  	s19 =	simm.s32 $0x6720;
	s26 =	simm.s32 $0x100;
	[sflag:s24] =	ssyncadd.s32 $0xFFFFFFB8  }
0xce: {  	[tilespmem:s19], [sflag:$0x7] =	stream.indirect.gather [hbm4b:s3+s7], $0x40, s26, s7, $0xb8;
	[tilespmem:$0xCB20] =	vst v63  }
0xcf: {  	s19 =	simm.s32 $0x290;
	s26 =	simm.s32 $0x8720  }
0xd0: {  	[tilespmem:s26], [sflag:$0x7] =	stream.indirect.gather [hbm4b:s3+s15], $0x40, s19, s15, $0xb8;
	[tilespmem:$0xCB20] =	vst v63  }
0xd1: {  	_ =	swait.ge [sflag:s25], $0x2000  }
0xd2: {  	[sflag:s25] =	ssyncset.done $0x0  }
0xd3: {  	[sflag:s25] =	ssyncadd.s32 $0xFFFFE000  }
0xd4: {  	_ =	swait.ge [sflag:s25], $0x1200  }
0xd5: {  	s8 =	simm.s32 @!p0 $0x80;
	[sflag:s25] =	ssyncset.done $0x0  }
0xd6: {  	s26 =	sadd.s32 @!p0 $0xE1, s31;
	s19 =	rddreg [dreg:$0x1c];
	[sflag:s25] =	ssyncadd.s32 $0xFFFFEE00  }
0xd7: {  	[tilespmem:s8], [sflag:$0x2] =	stream.linear.gather @!p0 [hbm4b:s26+s6], $0x80, $0x38;
	[tilespmem:$0xCB20] =	vst v63  }
0xd8: {  	s26 =	sadd.s32 @!p0 s9, s19;
	s19 =	simm.s32 @!p0 $0x248  }
0xd9: {  	[tilespmem:s19], [sflag:$0x2] =	stream.linear.gather @!p0 [hbm4b:s26+s6], $0x48, $0x38;
	[tilespmem:$0xCB20] =	vst v63  }
0xda: {  	s26 =	sadd.s32 $0x640, s28  }
0xdb: {  	[hbm4b:s26+s2] =	stream.linear.scatter [tilespmem:s18], [sflag:$0xA], $0x3200, $0x38;
	[tilespmem:$0xCB20] =	vst v63  }
0xdc: {  	_ =	swait.ge [sflag:s4], $0x3200  }
0xdd: {  	[sflag:s4] =	ssyncset.done $0x0  }
0xde: {  	[sflag:s4] =	ssyncadd.s32 $0xFFFFCE00  }
0xdf: {  	_ =	swait.ge [sflag:s29], $0x80  }
0xe0: {  	[sflag:s29] =	ssyncset.done $0x0  }
0xe1: {  	[sflag:s29] =	ssyncadd.s32 $0xFFFFFF80  }
0xe2: {  	_ =	swait.ge [sflag:s29], $0x48  }
0xe3: {  	[sflag:s29] =	ssyncset.done $0x0  }
0xe4: {  	[sflag:s29] =	ssyncadd.s32 $0xFFFFFFB8  }
0xe5: {  	[tilespmem:s30], [sflag:$0x8] =	stream.indirect.gather [hbm4b:s3+s7], $0x40, s12, s7, $0xb8;
	[tilespmem:$0xCB20] =	vst v63  }
0xe6: {  	s26 =	simm.s32 $0xB920  }
0xe7: {  	[tilespmem:s26], [sflag:$0x8] =	stream.indirect.gather [hbm4b:s3+s15], $0x40, s13, s15, $0xb8;
	[tilespmem:$0xCB20] =	vst v63  }
0xe8: {  	_ =	swait.ge [sflag:s1], $0x2000  }
0xe9: {  	[sflag:s1] =	ssyncset.done $0x0  }
0xea: {  	[sflag:s1] =	ssyncadd.s32 $0xFFFFE000  }
0xeb: {  	_ =	swait.ge [sflag:s1], $0x1200  }
0xec: {  	[sflag:s1] =	ssyncset.done $0x0  }
0xed: {  	s19 =	simm.s32 @p0 $0x0;
	s26 =	simm.s32 @p0 $0x6720;
	[sflag:s1] =	ssyncadd.s32 $0xFFFFEE00  }
0xee: {  	[hbm4b:s0+s19] =	stream.linear.scatter @p0 [tilespmem:s26], [sflag:$0xB], $0x3200, $0x38;
	[tilespmem:$0xCB20] =	vst v63  }
0xef: {  	s19 =	sadd.s32 @!p0 $0xFA, s31;
	s26 =	simm.s32 @!p0 $0x100  }
0xf0: {  	[tilespmem:s26], [sflag:$0x3] =	stream.linear.gather @!p0 [hbm4b:s19+s6], $0x80, $0x38;
	[tilespmem:$0xCB20] =	vst v63  }
0xf1: {  	s19 =	rddreg [dreg:$0x1b]  }
0xf2: {  	s26 =	simm.s32 @!p0 $0x290;
	s19 =	sadd.s32 @!p0 s9, s19  }
0xf3: {  	[tilespmem:s26], [sflag:$0x3] =	stream.linear.gather @!p0 [hbm4b:s19+s6], $0x48, $0x38;
	[tilespmem:$0xCB20] =	vst v63  }
0xf4: {  	s19 =	sadd.s32 @!p0 $0xC80, s28;
	s26 =	simm.s32 @!p0 $0x6720  }
0xf5: {  	[hbm4b:s19+s6] =	stream.linear.scatter @!p0 [tilespmem:s26], [sflag:$0xB], $0x3200, $0x38;
	[tilespmem:$0xCB20] =	vst v63  }
0xf6: {  	s19 =	simm.s32 @!p0 $0x9  }
0xf7: {  	_ =	swait.ge @!p0 [sflag:s19], $0x3200  }
0xf8: {  	[sflag:s19] =	ssyncset.done @!p0 $0x0  }
0xf9: {  	[sflag:s19] =	ssyncadd.s32 @!p0 $0xFFFFCE00;
	s19 =	simm.s32 @!p0 $0x1  }
0xfa: {  	_ =	swait.ge @!p0 [sflag:s19], $0x80  }
0xfb: {  	[sflag:s19] =	ssyncset.done @!p0 $0x0  }
0xfc: {  	[sflag:s19] =	ssyncadd.s32 @!p0 $0xFFFFFF80  }
0xfd: {  	_ =	swait.ge @!p0 [sflag:s19], $0x48  }
0xfe: {  	[sflag:s19] =	ssyncset.done @!p0 $0x0  }
0xff: {  	[sflag:s19] =	ssyncadd.s32 @!p0 $0xFFFFFFB8;
	s19 =	simm.s32 @!p0 $0x320  }
0x100: {  	[tilespmem:s19], [sflag:$0x5] =	stream.indirect.gather @!p0 [hbm4b:s3+s8], $0x40, s6, s8, $0xb8;
	[tilespmem:$0xCB20] =	vst v63  }
0x101: {  	s6 =	simm.s32 @!p0 $0x48;
	s8 =	simm.s32 @!p0 $0x2320  }
0x102: {  	[tilespmem:s8], [sflag:$0x5] =	stream.indirect.gather @!p0 [hbm4b:s3+s6], $0x40, s10, s6, $0xb8;
	[tilespmem:$0xCB20] =	vst v63  }
0x103: {  	_ =	swait.ge [sflag:s5], $0x2000  }
.Ltmp2:
0x104: {  	[sflag:s5] =	ssyncset.done $0x0;
	(pc) =	sbr.rel @p0 .LBB2_4-.Ltmp2, $4  }
0x105: {  	[sflag:s5] =	ssyncadd.s32 $0xFFFFE000  }
0x106: {  	_ =	swait.ge [sflag:s5], $0x1200  }
0x107: {  	[sflag:s5] =	ssyncset.done $0x0  }
0x108: {  	[sflag:s5] =	ssyncadd.s32 $0xFFFFEE00  }
0x109: {  	s6 =	sadd.s32 s9, s17  }
0x10a: {  	s26 =	rddreg [dreg:$0x11];
	s6 =	sadd.s32 $0x113, s6  }
0x10b: {  	[tilespmem:s12], [sflag:$0x4] =	stream.linear.gather [hbm4b:s6+s2], $0x80, $0x38;
	[tilespmem:$0xCB20] =	vst v63  }
0x10c: {  	s6 =	sadd.s32 s9, s26  }
0x10d: {  	[tilespmem:s13], [sflag:$0x4] =	stream.linear.gather [hbm4b:s6+s2], $0x48, $0x38;
	[tilespmem:$0xCB20] =	vst v63  }
0x10e: {  	s31 =	sadd.s32 $0x12C0, s28  }
0x10f: {  	[hbm4b:s31+s2] =	stream.linear.scatter [tilespmem:s30], [sflag:$0xC], $0x3200, $0x38;
	[tilespmem:$0xCB20] =	vst v63  }
0x110: {  	_ =	swait.ge [sflag:s16], $0x3200  }
0x111: {  	[sflag:s16] =	ssyncset.done $0x0  }
0x112: {  	[sflag:s16] =	ssyncadd.s32 $0xFFFFCE00  }
0x113: {  	_ =	swait.ge [sflag:s11], $0x80  }
0x114: {  	[sflag:s11] =	ssyncset.done $0x0  }
0x115: {  	[sflag:s11] =	ssyncadd.s32 $0xFFFFFF80  }
0x116: {  	_ =	swait.ge [sflag:s11], $0x48  }
.Ltmp3:
0x117: {  	[sflag:s11] =	ssyncset.done $0x0;
	(pc) =	sbr.rel .LBB2_2-.Ltmp3, $4  }
0x118: {  	[sflag:s11] =	ssyncadd.s32 $0xFFFFFFB8  }
0x119: {  	[tilespmem:s18], [sflag:$0x6] =	stream.indirect.gather [hbm4b:s3+s7], $0x40, s7, s7, $0xb8;
	[tilespmem:$0xCB20] =	vst v63  }
0x11a: {  	s28 =	sadd.s32 $0x1900, s28;
	s9 =	sadd.s32 $0x64, s9  }
0x11b: {  	[tilespmem:s21], [sflag:$0x6] =	stream.indirect.gather [hbm4b:s3+s15], $0x40, s20, s15, $0xb8;
	[tilespmem:$0xCB20] =	vst v63  }
.LBB2_5:
0x11c: {  	_ =	sfence.sel $0x180000  }
0x11d: {  	[bflag:$0x0] =	sbarrier.arrive $0xFFFF  }
0x11e: {  	_ =	strace $0x90000047  }
0x11f: {  	s0 =	stileid.u32;
	[bflag:$0x2] =	sbarrier.arrive $0xFFFF  }
0x120: {  	p0 =	sne.s32 s0, $0x0;
	s0 =	rddreg [dreg:$0x2]  }
0x121: {  	s0 =	sadd.s32 @!p0 $0x100000, s0  }
0x122: {  	[sflag:s0] =	ssyncadd.tile.s32 @!p0 $0x1;
	_ =	shalt  }
.Lfunc_end2:
_tile_overlayer_lowered:
.L_overlay_start_2:
0x123: {  	(tag) =	ssettag $0x2  }
0x124: {  	s0 =	rddreg [dreg:$0x0];
	s2 =	stileid.u32  }
0x125: {  	s1 =	rddreg [dreg:$0x1];
	p0 =	sne.s32 s2, $0x0  }
0x126: {  	s3 =	rddreg [dreg:$0x2];
	[bflag:$0x3] =	sbarrier.arrive $0xFFFF;
	s2 =	simm.s32 @!p0 $0x1C0D  }
0x127: {  	[timem:s3], [sflag:s2] =	dma.local @!p0 [hbm:s0], s1  }
0x128: {  	s0 =	simm.s32 @!p0 $0xD  }
0x129: {  	_ =	swait.ge @!p0 [sflag:s0], s1  }
0x12a: {  	s1 =	ssub.s32 @!p0 $0x0, s1;
	[sflag:s0] =	ssyncset.done @!p0 $0x0  }
0x12b: {  	[sflag:s0] =	ssyncadd.s32 @!p0 s1  }
0x12c: {  	[bflag:$0x3] =	sbarrier.arrive $0xFFFF  }
0x12d: {  	_ =	shalt  }

// kernel: sparse-core-data-format-call.cloned.1.call-start
scs
called_computation_lowered:
.L_overlay_start_0:
0x0: {  	s2 =	sld [smem:$0x3FD9]  }
0x1: {  	s3 =	sld [smem:$0x3FFE];
	_ =	sdelay $0x1  }
0x2: {  	s1 =	srdreg.scid  }
0x3: {  	s0 =	sand.u32 $0x1, s1  }
0x4: {  	s18 =	sshll.u32 s0, $0xA;
	s2 =	sadd.s32 s3, s2  }
0x5: {  	s2 =	sadd.s32 s2, s18  }
0x6: {  	[smem:$0x3FC6] =	sst s2  }
0x7: {  	_ = 	snop  }
0x8: {  	s2 =	sld [smem:$0x3FD0];
	(tm) =	ssettm $0x1  }
0x9: {  	s19 =	sld [smem:$0x3FFB];
	_ =	sdelay $0x3  }
0xa: {  	_ =	strace s19  }
0xb: {  	s3 =	sld [smem:$0x3FFC];
	_ =	sdelay $0x3  }
0xc: {  	_ =	strace s3  }
0xd: {  	s3 =	sld [smem:$0x3FFD];
	_ =	sdelay $0x3  }
0xe: {  	_ =	strace s3  }
0xf: {  	_ =	strace $0x8FFFFFFF  }
0x10: {  	s20 =	sld [smem:$0x3FDB];
	_ =	sdelay $0x1  }
0x11: {  	s4 =	simm.s32 $_scs_section_size  }
0x12: {  	s5 =	simm.s32 $_size__tile_overlayer_lowered;
	s6 =	simm.s32 $_tile_overlayer_lowered  }
0x13: {  	s23 =	simm.s32 $0x1BFF;
	s22 =	sshll.u32 s6, $0x1;
	s3 =	sadd.s32 s4, s20  }
0x14: {  	s7 =	simm.s32 $0x0;
	s21 =	sshll.u32 s5, $0x1;
	s5 =	sadd.s32 s22, s3  }
0x15: {  	[timem:s7], [sflag:s23] =	dma.local [hbm:s5], s21  }
0x16: {  	_ =	swait.ge [sflag:s23], s21  }
0x17: {  	s4 =	ssub.s32 $0x0, s21;
	[sflag:s23] =	ssyncset.done $0x0  }
0x18: {  	[sflag:s23] =	ssyncadd.s32 s4;
	_ =	sdelay $0x1  }
0x19: {  	s24 =	simm.s32 $0x1B8B  }
0x1a: {  	_ =	swait.ge [sflag:s24], $0x1  }
0x1b: {  	[sflag:s24] =	ssyncset.done $0x0  }
0x1c: {  	s26 =	simm.s32 $0x1B8E;
	s25 =	sld [smem:$0x3FFE];
	[sflag:s24] =	ssyncadd.s32 $0xFFFFFFFF  }
0x1d: {  	s27 =	simm.s32 $execute0_lowered;
	[smem:$0x3FD2] =	sst s26  }
0x1e: {  	s5 =	sshll.u32 s27, $0x1;
	_ =	strace $0x80000049;
	[dreg:$0x1] =	wrdreg $0xFFFFFFFF  }
0x1f: {  	s28 =	simm.s32 $_size_execute0_lowered;
	s3 =	sadd.s32 s3, s5;
	[dreg:$0x0] =	wrdreg $0x0  }
0x20: {  	s5 =	sshll.u32 s28, $0x1;
	[dreg:$0x2] =	wrdreg s3  }
0x21: {  	[dreg:$0x3] =	wrdreg s5  }
0x22: {  	[dreg:$0x4] =	wrdreg $0xC0  }
0x23: {  	_ =	task [dreg:s7], $0x5FFFF  }
0x24: {  	[dreg:$0x1] =	wrdreg $0xFFFFFFFF  }
0x25: {  	[dreg:$0x0] =	wrdreg $0x60  }
0x26: {  	[dreg:$0x2] =	wrdreg s25  }
0x27: {  	[dreg:$0x3] =	wrdreg s2  }
0x28: {  	[dreg:$0x4] =	wrdreg $0x9  }
0x29: {  	_ =	task.clear_ibuf [dreg:s7], $0x5FFFF;
	_ =	strace $0x90000049  }
0x2a: {  	s29 =	simm.s32 $0x9;
	_ =	strace $0x8000004B  }
0x2b: {  	_ =	swait.ge [sflag:s29], $0x1  }
0x2c: {  	[sflag:s29] =	ssyncadd.s32 $0xFFFFFFFF  }
0x2d: {  	_ =	strace $0x9000004B  }
0x2e: {  	_ =	sfence  }
0x2f: {  	s30 =	sld [smem:$0x0];
	_ =	sdelay $0x2  }
0x30: {  	s31 =	sshll.u32 s1, $0xD;
	s1 =	sshrl.u32 s1, $0x2  }
0x31: {  	s3 =	sand.u32 $0x4000, s31;
	s1 =	sadd.s32 s1, s30  }
0x32: {  	s0 =	sor.u32 s3, s0;
	s1 =	sshll.u32 s1, $0x11  }
0x33: {  	s0 =	sor.u32 s1, s0  }
0x34: {  	s0 =	sadd.s32 $0x8F2B, s0  }
0x35: {  	[sflag:s0] =	ssyncadd.remote.s32 $0x1  }
0x36: {  	_ =	sfence.sel $0xFFFF  }
0x37: {  	[dreg:$0x0] =	wrdreg $0xFFFFFFFF;
	(pc) =	sbr.abs _section_cstart, $3  }
0x38: {  	[dreg:$0x1] =	wrdreg $0xFFFFFFFF  }
0x39: {  	_ =	task.clear_ibuf [dreg:s7], $0x2FFFF;
	_ =	strace $0x9FFFFFFF  }
0x3a: {  	(tm) =	ssettm $0x7FFFFFFF  }
0x3b: {  	_ =	shalt  }
tec
execute0_lowered:
.L_overlay_start_1:
0x0: {  	(tag) =	ssettag $0x1  }
0x1: {  	s0 =	srdreg.scid  }
0x2: {  	s1 =	sshll.u32 s0, $0x4  }
0x3: {  	s0 =	stileid.u32;
	s1 =	sand.u32 $0x10, s1  }
0x4: {  	s1 =	sor.u32 s0, s1  }
0x5: {  	s6 =	rddreg [dreg:$0x0];
	s4 =	simm.s32 $0x1;
	s2 =	sshll.u32 s1, $0x7  }
0x6: {  	s7 =	simm.s32 $0x2;
	s12 =	simm.s32 $0x0;
	s1 =	ssub.s32 $0x1000, s2  }
0x7: {  	s8 =	simm.s32 $0x8000;
	s13 =	simm.s32 $0x0;
	s3 =	sand.u32 $0xF80, s1  }
0x8: {  	s9 =	simm.s32 $0x0;
	s5 =	sshrl.u32 s1, $0xC;
	p0 =	sne.s32 s3, $0x0  }
.Ltmp0:
0x9: {  	s1 =	rddreg [dreg:$0x2];
	s4 =	simm.s32 @!p0 $0x0;
	(pc) =	sbr.rel .LBB1_1-.Ltmp0, $4  }
0xa: {  	s11 =	simm.s32 $0x0;
	s3 =	rddreg [dreg:$0x1];
	s5 =	sadd.s32 s4, s5  }
0xb: {  	_ =	strace $0x8000004A;
	s4 =	simm.s32 $0x1;
	s5 =	smul.u32 $0xC8, s5  }
0xc: {  	s6 =	sadd.s32 $0xA00, s6;
	s10 =	smov.u32 s2;
	[sflag:s4] =	ssyncpa.u1 $0x0  }
0xd: {  	p0 =	por $0x0, $0x0;
	[sflag:s7] =	ssyncpa.u1 $0x0;
	s7 =	sor.u32 $0x1, s5  }
.LBB1_4:
0xe: {  	s16 =	sshll.u32 s13, $0x3;
	s17 =	sand.u32 $0x78, s13  }
0xf: {  	s30 =	sand.u32 $0x7E00, s13;
	s12 =	sshll.u32 s12, $0xF;
	s16 =	sand.u32 $0xC00, s16  }
0x10: {  	[tilespmem:s15+$0x810 ss:$0x81] =	vst.msk $0xffff, v2;
	s31 =	sand.u32 $0x7, s13;
	s16 =	sor.u32 s17, s16;
	s17 =	sadd.s32 s3, s30  }
0x11: {  	[tilespmem:s15+$0x1020 ss:$0x81] =	vst.msk $0xffff, v0;
	s13 =	sshll.u32 s31, $0x12;
	s12 =	sadd.s32 s12, s17;
	s16 =	sshrl.u32 s16, $0x3  }
0x12: {  	[tilespmem:s15+$0x0 ss:$0x81] =	vst.msk $0xffff, v1;
	s13 =	sor.u32 $0x400, s13;
	s12 =	sadd.s32 s16, s12  }
0x13: {  	[hbm4b:s12+s13] =	stream.strided.scatter [tilespmem:s14], [sflag:$0x2], $0x2000, s8, s13, $0x20;
	[tilespmem:$0x8080] =	vst v63  }
.LBB1_5:
0x14: {  	s14 =	sadd.s32 $0x1, s9  }
0x15: {  	s12 =	sadd.s32 $0x1000, s10;
	s16 =	smov.u32 s10;
	p2 =	sgt.s32 s14, $0xC7  }
0x16: {  	s16 =	smov.u32 @p2 s12  }
0x17: {  	s14 =	simm.s32 @p2 $0x0;
	p2 =	sgt.s32 s16, $0xFFF  }
0x18: {  	s16 =	smov.u32 @p2 s2;
	p2 =	sne.s32 s11, s7  }
.Ltmp1:
0x19: {  	p1 =	slt.u32 s11, $0x2;
	(pc) =	sbr.rel @!p2 .LBB1_6-.Ltmp1, $4  }
0x1a: {  	s15 =	simm.s32 @!p1 $0x2  }
0x1b: {  	s13 =	smov.u32 s10;
	p0 =	por !p0, !p0;
	_ =	swait.ge @!p1 [sflag:s15], $0x2000  }
0x1c: {  	s12 =	smov.u32 s9;
	[sflag:s15] =	ssyncset.done @!p1 $0x0;
	s9 =	smov.u32 s14  }
0x1d: {  	s11 =	sadd.s32 $0x1, s11;
	[sflag:s15] =	ssyncadd.s32 @!p1 $0xFFFFE000;
	s10 =	smov.u32 s16  }
.LBB1_1:
0x1e: {  	p1 =	sge.u32 s11, s5  }
0x1f: {  	s14 =	sand.u32 @!p1 $0x1FFFFFF, s9  }
0x20: {  	s15 =	smulhi.u32 @!p1 $0x147AE15, s14;
	_ =	sdelay $0x1  }
0x21: {  	s15 =	smul.u32 @!p1 $0xC8, s15  }
0x22: {  	s16 =	sxor.u32 @!p1 $0xFFFFFFFF, s11;
	s17 =	smul.u32 @!p1 $0xC80, s10  }
0x23: {  	s31 =	sadd.s32 $0xFFFFFFFF, s11;
	s16 =	sshll.u32 @!p1 s16, $0xD;
	s14 =	ssub.s32 @!p1 s14, s15  }
0x24: {  	s15 =	sand.u32 @!p1 $0x2000, s16;
	s16 =	sadd.s32 @!p1 s6, s17;
	s14 =	sshll.u32 @!p1 s14, $0x4  }
0x25: {  	s17 =	simm.s32 @!p1 $0x6400;
	s14 =	sadd.s32 @!p1 s14, s16;
	s16 =	simm.s32 @!p1 $0x40  }
0x26: {  	[tilespmem:s15], [sflag:$0x1] =	stream.strided.gather @!p1 [hbm4b:s14+s16], $0x2000, s17, s16, $0x38;
	[tilespmem:$0x8080] =	vst v63  }
0x27: {  	p1 =	sge.u32 s31, s5  }
.Ltmp2:
0x28: {  	_ = 	snop;
	(pc) =	sbr.rel @p1 .LBB1_5-.Ltmp2, $1  }
0x29: {  	_ =	sdelay $0x3  }
0x2a: {  	s14 =	simm.s32 $0x1  }
0x2b: {  	_ =	swait.ge [sflag:s4], $0x2000;
	s14 =	simm.s32 @!p0 $0x0  }
0x2c: {  	[sflag:s4] =	ssyncset.done $0x0;
	s15 =	sshll.u32 s14, $0xD  }
0x2d: {  	[sflag:s4] =	ssyncadd.s32 $0xFFFFE000;
	s18 =	sor.u32 $0x20, s15  }
0x2e: {  	s14 =	smul.u32 $0x8100, s14;
	v3 =	vld [tilespmem:s18+$0x10]  }
0x2f: {  	s30 =	sand.u32 $0x1, s11;
	v2 =	vld [tilespmem:s18+$0xFFFFFFF0]  }
0x30: {  	s15 =	smul.u32 $0x8100, s30;
	s14 =	sshrl.u32 s14, $0x2;
	v0 =	vld [tilespmem:s18+$0x0]  }
0x31: {  	v1 =	vld [tilespmem:s18+$0xFFFFFFE0];
	s16 =	sor.u32 $0x4000, s14  }
0x32: {  	s31 =	sshrl.u32 s15, $0x2;
	s15 =	sadd.s32 $0x0, s16  }
0x33: {  	s17 =	simm.s32 $0x4;
	s18 =	sadd.s32 $0x40, s18;
	s14 =	sor.u32 $0x4000, s31;
	[tilespmem:s15+$0x1830 ss:$0x81] =	vst.msk $0xffff, v3  }
.LBB1_3:
0x34: {  	v3 =	vld [tilespmem:s18+$0x10];
	p1 =	sne.s32 s17, $0x1FC;
	[tilespmem:s15+$0x810 ss:$0x81] =	vst.msk $0xffff, v2;
	s19 =	smov.u32 s17;
	s17 =	sadd.s32 $0x4, s17  }
.Ltmp3:
0x35: {  	v2 =	vld [tilespmem:s18+$0xFFFFFFF0];
	[tilespmem:s15+$0x1020 ss:$0x81] =	vst.msk $0xffff, v0;
	(pc) =	sbr.rel @p1 .LBB1_3-.Ltmp3, $4  }
0x36: {  	v0 =	vld [tilespmem:s18+$0x0];
	[tilespmem:s15+$0x0 ss:$0x81] =	vst.msk $0xffff, v1  }
0x37: {  	s15 =	sshra.s32 s19, $0x2;
	v1 =	vld [tilespmem:s18+$0xFFFFFFE0]  }
0x38: {  	s15 =	sadd.s32 s15, s16  }
0x39: {  	s18 =	sadd.s32 $0x40, s18;
	[tilespmem:s15+$0x1830 ss:$0x81] =	vst.msk $0xffff, v3  }
.Ltmp4:
0x3a: {  	_ = 	snop;
	(pc) =	sbr.rel .LBB1_4-.Ltmp4, $1  }
0x3b: {  	_ =	sdelay $0x3  }
.LBB1_6:
0x3c: {  	_ =	sfence.sel $0x180000  }
0x3d: {  	s2 =	simm.s32 $0x1;
	[bflag:$0x0] =	sbarrier.arrive $0xFFFF  }
0x3e: {  	s31 =	simm.s32 $0x2;
	[sflag:s2] =	ssyncpa.u1 $0x1  }
0x3f: {  	[sflag:s31] =	ssyncpa.u1 $0x1  }
0x40: {  	p0 =	sne.s32 s0, $0x0;
	_ =	strace $0x9000004A  }
0x41: {  	s0 =	sadd.s32 @!p0 $0x100000, s1;
	[bflag:$0x2] =	sbarrier.arrive $0xFFFF  }
0x42: {  	[sflag:s0] =	ssyncadd.tile.s32 @!p0 $0x1;
	_ =	shalt  }
.Lfunc_end1:
_tile_overlayer_lowered:
.L_overlay_start_2:
0x43: {  	(tag) =	ssettag $0x2  }
0x44: {  	s0 =	rddreg [dreg:$0x0];
	s2 =	stileid.u32  }
0x45: {  	s1 =	rddreg [dreg:$0x1];
	p0 =	sne.s32 s2, $0x0  }
0x46: {  	s3 =	rddreg [dreg:$0x2];
	[bflag:$0x3] =	sbarrier.arrive $0xFFFF;
	s2 =	simm.s32 @!p0 $0x1C01  }
0x47: {  	[timem:s3], [sflag:s2] =	dma.local @!p0 [hbm:s0], s1  }
0x48: {  	s0 =	simm.s32 @!p0 $0x1  }
0x49: {  	_ =	swait.ge @!p0 [sflag:s0], s1  }
0x4a: {  	s1 =	ssub.s32 @!p0 $0x0, s1;
	[sflag:s0] =	ssyncset.done @!p0 $0x0  }
0x4b: {  	[sflag:s0] =	ssyncadd.s32 @!p0 s1  }
0x4c: {  	[bflag:$0x3] =	sbarrier.arrive $0xFFFF  }
0x4d: {  	_ =	shalt  }

</sc_bundles>
